<compile_context>
chip_gen: v7x
topology: tpu7x:2x2x1
jax: 0.10.2.dev20260603
libtpu: 0.0.44.dev20260713+nightly
codegen_flags: <defaults>
</compile_context>

<pallas_src>
import functools

import jax
import jax.numpy as jnp
from jax import lax
from jax.experimental import pallas as pl
from jax.experimental.pallas import tpu as pltpu
from jax.experimental.pallas import tpu_sc as plsc

B = 16384
K = 128
K_SRC = K // 2
K_LEN = K - K_SRC
SRC_VOCAB = 5
LEN_VOCAB = 3
NROWS = SRC_VOCAB * LEN_VOCAB

NC = 2
NS = 16
L = 16
NW = NC * NS
BPW = B // NW
CHUNK = 128
NCHUNK = BPW // CHUNK

_mesh = plsc.VectorSubcoreMesh(core_axis_name="c", subcore_axis_name="s")


@functools.partial(
    pl.kernel,
    mesh=_mesh,
    out_type=jax.ShapeDtypeStruct((B, K), jnp.float32),
    scratch_types=[
        pltpu.VMEM((BPW,), jnp.int32),
        pltpu.VMEM((BPW,), jnp.int32),
        pltpu.VMEM((NCHUNK, CHUNK), jnp.int32),
        pltpu.VMEM((SRC_VOCAB * K_SRC,), jnp.float32),
        pltpu.VMEM((LEN_VOCAB * K_LEN,), jnp.float32),
        pltpu.VMEM((NROWS, K), jnp.float32),
        pltpu.VMEM_SHARED((NROWS, K), jnp.float32),
        pltpu.VMEM((BPW, K), jnp.float32),
        pltpu.SemaphoreType.DMA,
        pltpu.SemaphoreType.DMA,
        pltpu.SemaphoreType.DMA,
    ],
)
def _fused_lookup(src_hbm, len_hbm, src_emb_hbm, len_emb_hbm, out_hbm,
                  sidx, lidx, fidx, semb, lemb, tbl_l, table_v, rows,
                  gsem, ssem, tsem):
    wid = lax.axis_index("s") * NC + lax.axis_index("c")
    base = wid * BPW

    icp1 = pltpu.async_copy(src_hbm.at[pl.ds(base, BPW)], sidx, gsem)
    icp2 = pltpu.async_copy(len_hbm.at[pl.ds(base, BPW)], lidx, gsem)

    @pl.when(lax.axis_index("s") == 0)
    def _():
        e1 = pltpu.async_copy(src_emb_hbm, semb, tsem)
        e2 = pltpu.async_copy(len_emb_hbm, lemb, tsem)
        e1.wait()
        e2.wait()
        for f in range(NROWS):
            s, t = divmod(f, LEN_VOCAB)
            for c in range(K_SRC // L):
                tbl_l[f, pl.ds(c * L, L)] = semb[pl.ds(s * K_SRC + c * L, L)]
            for c in range(K_LEN // L):
                tbl_l[f, pl.ds(K_SRC + c * L, L)] = lemb[pl.ds(t * K_LEN + c * L, L)]
        pltpu.sync_copy(tbl_l, table_v)

    icp1.wait()
    icp2.wait()

    for k in range(BPW // L):
        j, c = divmod(k, CHUNK // L)
        s = sidx[pl.ds(k * L, L)]
        t = lidx[pl.ds(k * L, L)]
        fidx[j, pl.ds(c * L, L)] = s * LEN_VOCAB + t

    plsc.subcore_barrier()

    gathers = [
        pltpu.async_copy(
            table_v.at[fidx.at[j]],
            rows.at[pl.ds(j * CHUNK, CHUNK)],
            gsem,
        )
        for j in range(NCHUNK)
    ]
    stores = []
    for j in range(NCHUNK):
        gathers[j].wait()
        stores.append(
            pltpu.async_copy(
                rows.at[pl.ds(j * CHUNK, CHUNK)],
                out_hbm.at[pl.ds(base + j * CHUNK, CHUNK)],
                ssem,
            )
        )
    for st in stores:
        st.wait()


def kernel(source_types, length_bins, src_emb, len_emb):
    return _fused_lookup(
        source_types.astype(jnp.int32),
        length_bins.astype(jnp.int32),
        src_emb.reshape(-1),
        len_emb.reshape(-1),
    )

# --- scband reference (transcript-rebuilt; emitter-appended) ---
"""Pipeline reference for scband-style-code-maker-40346922778887 (READ-ONLY COPY).

The authoritative reference and input builder live on the scoring server;
editing this copy changes nothing except your own understanding.
"""

import jax, jax.numpy as jnp
import numpy as np

B = 16384
K = 128
K_SRC = K // 2
K_LEN = K - K_SRC
SRC_VOCAB = 5
LEN_VOCAB = 3


def setup_inputs(seed: int = 0) -> dict:
    key = jax.random.key(seed)
    k1, k2, k3, k4 = jax.random.split(key, 4)
    source_types = jax.random.randint(k1, (B,), 0, SRC_VOCAB)
    length_bins = jax.random.randint(k2, (B,), 0, LEN_VOCAB)
    src_emb = jax.random.normal(k3, (SRC_VOCAB, K_SRC), dtype=jnp.float32) * 0.02
    len_emb = jax.random.normal(k4, (LEN_VOCAB, K_LEN), dtype=jnp.float32) * 0.02
    return {"source_types": source_types, "length_bins": length_bins, "src_emb": src_emb, "len_emb": len_emb}


def reference(source_types, length_bins, src_emb, len_emb):
    # string->index vocab mapping is precomputed into int index arrays;
    # forward is two embedding gathers followed by a concat along the feature dim
    src_code = jnp.take(src_emb, source_types, axis=0)
    len_code = jnp.take(len_emb, length_bins, axis=0)
    code = jnp.concatenate([src_code, len_code], axis=-1)
    return code

if __name__ == "__main__":
    import jax
    _d = setup_inputs()
    print(jax.jit(kernel)(*tuple(_d.values())))

</pallas_src>

<mosaic_0001>
#map = affine_map<(d0, d1) -> (0)>
#map1 = affine_map<(d0, d1) -> (0, 0)>
module attributes {stable_mosaic.version = 14 : i64} {
  func.func @_fused_lookup(%arg0: i32, %arg1: i32, %arg2: memref<16384xi32, #tpu.memory_space<hbm>>, %arg3: memref<16384xi32, #tpu.memory_space<hbm>>, %arg4: memref<320xf32, #tpu.memory_space<hbm>>, %arg5: memref<192xf32, #tpu.memory_space<hbm>>, %arg6: memref<16384x128xf32, #tpu.memory_space<hbm>>, %arg7: memref<512xi32, #tpu.memory_space<vmem>>, %arg8: memref<512xi32, #tpu.memory_space<vmem>>, %arg9: memref<4x128xi32, #tpu.memory_space<vmem>>, %arg10: memref<320xf32, #tpu.memory_space<vmem>>, %arg11: memref<192xf32, #tpu.memory_space<vmem>>, %arg12: memref<15x128xf32, #tpu.memory_space<vmem>>, %arg13: memref<15x128xf32, #tpu.memory_space<vmem_shared>>, %arg14: memref<512x128xf32, #tpu.memory_space<vmem>>, %arg15: memref<!tpu.dma_semaphore, #tpu.memory_space<semaphore_mem>>, %arg16: memref<!tpu.dma_semaphore, #tpu.memory_space<semaphore_mem>>, %arg17: memref<!tpu.dma_semaphore, #tpu.memory_space<semaphore_mem>>) attributes {dimension_semantics = [#tpu.dimension_semantics<core_parallel>, #tpu.dimension_semantics<subcore_parallel>], iteration_bounds = array<i64: 2, 16>, scalar_prefetch = 0 : i64, scratch_operands = 11 : i64, tpu.core_type = #tpu.core_type<sc_vector_subcore>, window_params = [{transform_indices = #map}, {transform_indices = #map}, {transform_indices = #map}, {transform_indices = #map}, {transform_indices = #map1}]} {
    %mul3A = arith.constant 2 : i32
    %mul3A_0 = arith.muli %arg1, %mul3A : i32
    %add3A = arith.addi %mul3A_0, %arg0 : i32
    %mul3A_1 = arith.constant 512 : i32
    %mul3A_2 = arith.muli %add3A, %mul3A_1 : i32
    %dma_start3A = tpu.memref_slice %arg2[%mul3A_2] : memref<16384xi32, #tpu.memory_space<hbm>> -> memref<512xi32, #tpu.memory_space<hbm>>
    %dma_start3A_3 = tpu.memref_slice %arg2[%mul3A_2] : memref<16384xi32, #tpu.memory_space<hbm>> -> memref<512xi32, #tpu.memory_space<hbm>>
    tpu.enqueue_dma source(%dma_start3A_3 : memref<512xi32, #tpu.memory_space<hbm>>) target(%arg7 : memref<512xi32, #tpu.memory_space<vmem>>) target_semaphore(%arg15 : memref<!tpu.dma_semaphore, #tpu.memory_space<semaphore_mem>>)
    %dma_start3A_4 = tpu.memref_slice %arg3[%mul3A_2] : memref<16384xi32, #tpu.memory_space<hbm>> -> memref<512xi32, #tpu.memory_space<hbm>>
    %dma_start3A_5 = tpu.memref_slice %arg3[%mul3A_2] : memref<16384xi32, #tpu.memory_space<hbm>> -> memref<512xi32, #tpu.memory_space<hbm>>
    tpu.enqueue_dma source(%dma_start3A_5 : memref<512xi32, #tpu.memory_space<hbm>>) target(%arg8 : memref<512xi32, #tpu.memory_space<vmem>>) target_semaphore(%arg15 : memref<!tpu.dma_semaphore, #tpu.memory_space<semaphore_mem>>)
    %eq3A = arith.constant 0 : i32
    %eq3A_6 = arith.cmpi eq, %arg1, %eq3A : i32
    %convert_element_type3A = arith.extui %eq3A_6 : i1 to i32
    %cond3A = arith.constant 0 : i32
    %cond3A_7 = arith.cmpi ne, %convert_element_type3A, %cond3A : i32
    scf.if %cond3A_7 {
      tpu.enqueue_dma source(%arg4 : memref<320xf32, #tpu.memory_space<hbm>>) target(%arg10 : memref<320xf32, #tpu.memory_space<vmem>>) target_semaphore(%arg17 : memref<!tpu.dma_semaphore, #tpu.memory_space<semaphore_mem>>)
      tpu.enqueue_dma source(%arg5 : memref<192xf32, #tpu.memory_space<hbm>>) target(%arg11 : memref<192xf32, #tpu.memory_space<vmem>>) target_semaphore(%arg17 : memref<!tpu.dma_semaphore, #tpu.memory_space<semaphore_mem>>)
      tpu.wait_dma2 semaphore(%arg17 : memref<!tpu.dma_semaphore, #tpu.memory_space<semaphore_mem>>) src(%arg4 : memref<320xf32, #tpu.memory_space<hbm>>) dst(%arg10 : memref<320xf32, #tpu.memory_space<vmem>>)
      tpu.wait_dma2 semaphore(%arg17 : memref<!tpu.dma_semaphore, #tpu.memory_space<semaphore_mem>>) src(%arg5 : memref<192xf32, #tpu.memory_space<hbm>>) dst(%arg11 : memref<192xf32, #tpu.memory_space<vmem>>)
      %get3A_689 = arith.constant 0 : index
      %get3A_690 = tpu.vector_load %arg10[%get3A_689] {strides = array<i32>} : memref<320xf32, #tpu.memory_space<vmem>>, vector<16xf32>,
      %get3A_691 = vector.shape_cast %get3A_690 : vector<16xf32> to vector<16xf32>
      %swap3A_692 = arith.constant 0 : i32
      %swap3A_693 = arith.index_cast %swap3A_692 : i32 to index
      %swap3A_694 = arith.constant 0 : index
      %swap3A_695 = tpu.vector_load %arg12[%swap3A_693, %swap3A_694] {strides = array<i32>} : memref<15x128xf32, #tpu.memory_space<vmem>>, vector<1x16xf32>,
      %swap3A_696 = vector.shape_cast %swap3A_695 : vector<1x16xf32> to vector<16xf32>
      %swap3A_697 = vector.shape_cast %get3A_691 : vector<16xf32> to vector<1x16xf32>
      tpu.vector_store %arg12[%swap3A_693, %swap3A_694], %swap3A_697 {strides = array<i32>} : memref<15x128xf32, #tpu.memory_space<vmem>>, vector<1x16xf32>,
      %get3A_698 = arith.constant 16 : index
      %get3A_699 = tpu.vector_load %arg10[%get3A_698] {strides = array<i32>} : memref<320xf32, #tpu.memory_space<vmem>>, vector<16xf32>,
      %get3A_700 = vector.shape_cast %get3A_699 : vector<16xf32> to vector<16xf32>
      %swap3A_701 = arith.constant 0 : i32
      %swap3A_702 = arith.index_cast %swap3A_701 : i32 to index
      %swap3A_703 = arith.constant 16 : index
      %swap3A_704 = tpu.vector_load %arg12[%swap3A_702, %swap3A_703] {strides = array<i32>} : memref<15x128xf32, #tpu.memory_space<vmem>>, vector<1x16xf32>,
      %swap3A_705 = vector.shape_cast %swap3A_704 : vector<1x16xf32> to vector<16xf32>
      %swap3A_706 = vector.shape_cast %get3A_700 : vector<16xf32> to vector<1x16xf32>
      tpu.vector_store %arg12[%swap3A_702, %swap3A_703], %swap3A_706 {strides = array<i32>} : memref<15x128xf32, #tpu.memory_space<vmem>>, vector<1x16xf32>,
      %get3A_707 = arith.constant 32 : index
      %get3A_708 = tpu.vector_load %arg10[%get3A_707] {strides = array<i32>} : memref<320xf32, #tpu.memory_space<vmem>>, vector<16xf32>,
      %get3A_709 = vector.shape_cast %get3A_708 : vector<16xf32> to vector<16xf32>
      %swap3A_710 = arith.constant 0 : i32
      %swap3A_711 = arith.index_cast %swap3A_710 : i32 to index
      %swap3A_712 = arith.constant 32 : index
      %swap3A_713 = tpu.vector_load %arg12[%swap3A_711, %swap3A_712] {strides = array<i32>} : memref<15x128xf32, #tpu.memory_space<vmem>>, vector<1x16xf32>,
      %swap3A_714 = vector.shape_cast %swap3A_713 : vector<1x16xf32> to vector<16xf32>
      %swap3A_715 = vector.shape_cast %get3A_709 : vector<16xf32> to vector<1x16xf32>
      tpu.vector_store %arg12[%swap3A_711, %swap3A_712], %swap3A_715 {strides = array<i32>} : memref<15x128xf32, #tpu.memory_space<vmem>>, vector<1x16xf32>,
      %get3A_716 = arith.constant 48 : index
      %get3A_717 = tpu.vector_load %arg10[%get3A_716] {strides = array<i32>} : memref<320xf32, #tpu.memory_space<vmem>>, vector<16xf32>,
      %get3A_718 = vector.shape_cast %get3A_717 : vector<16xf32> to vector<16xf32>
      %swap3A_719 = arith.constant 0 : i32
      %swap3A_720 = arith.index_cast %swap3A_719 : i32 to index
      %swap3A_721 = arith.constant 48 : index
      %swap3A_722 = tpu.vector_load %arg12[%swap3A_720, %swap3A_721] {strides = array<i32>} : memref<15x128xf32, #tpu.memory_space<vmem>>, vector<1x16xf32>,
      %swap3A_723 = vector.shape_cast %swap3A_722 : vector<1x16xf32> to vector<16xf32>
      %swap3A_724 = vector.shape_cast %get3A_718 : vector<16xf32> to vector<1x16xf32>
      tpu.vector_store %arg12[%swap3A_720, %swap3A_721], %swap3A_724 {strides = array<i32>} : memref<15x128xf32, #tpu.memory_space<vmem>>, vector<1x16xf32>,
      %get3A_725 = arith.constant 0 : index
      %get3A_726 = tpu.vector_load %arg11[%get3A_725] {strides = array<i32>} : memref<192xf32, #tpu.memory_space<vmem>>, vector<16xf32>,
      %get3A_727 = vector.shape_cast %get3A_726 : vector<16xf32> to vector<16xf32>
      %swap3A_728 = arith.constant 0 : i32
      %swap3A_729 = arith.index_cast %swap3A_728 : i32 to index
      %swap3A_730 = arith.constant 64 : index
      %swap3A_731 = tpu.vector_load %arg12[%swap3A_729, %swap3A_730] {strides = array<i32>} : memref<15x128xf32, #tpu.memory_space<vmem>>, vector<1x16xf32>,
      %swap3A_732 = vector.shape_cast %swap3A_731 : vector<1x16xf32> to vector<16xf32>
      %swap3A_733 = vector.shape_cast %get3A_727 : vector<16xf32> to vector<1x16xf32>
      tpu.vector_store %arg12[%swap3A_729, %swap3A_730], %swap3A_733 {strides = array<i32>} : memref<15x128xf32, #tpu.memory_space<vmem>>, vector<1x16xf32>,
      %get3A_734 = arith.constant 16 : index
      %get3A_735 = tpu.vector_load %arg11[%get3A_734] {strides = array<i32>} : memref<192xf32, #tpu.memory_space<vmem>>, vector<16xf32>,
      %get3A_736 = vector.shape_cast %get3A_735 : vector<16xf32> to vector<16xf32>
      %swap3A_737 = arith.constant 0 : i32
      %swap3A_738 = arith.index_cast %swap3A_737 : i32 to index
      %swap3A_739 = arith.constant 80 : index
      %swap3A_740 = tpu.vector_load %arg12[%swap3A_738, %swap3A_739] {strides = array<i32>} : memref<15x128xf32, #tpu.memory_space<vmem>>, vector<1x16xf32>,
      %swap3A_741 = vector.shape_cast %swap3A_740 : vector<1x16xf32> to vector<16xf32>
      %swap3A_742 = vector.shape_cast %get3A_736 : vector<16xf32> to vector<1x16xf32>
      tpu.vector_store %arg12[%swap3A_738, %swap3A_739], %swap3A_742 {strides = array<i32>} : memref<15x128xf32, #tpu.memory_space<vmem>>, vector<1x16xf32>,
      %get3A_743 = arith.constant 32 : index
      %get3A_744 = tpu.vector_load %arg11[%get3A_743] {strides = array<i32>} : memref<192xf32, #tpu.memory_space<vmem>>, vector<16xf32>,
      %get3A_745 = vector.shape_cast %get3A_744 : vector<16xf32> to vector<16xf32>
      %swap3A_746 = arith.constant 0 : i32
      %swap3A_747 = arith.index_cast %swap3A_746 : i32 to index
      %swap3A_748 = arith.constant 96 : index
      %swap3A_749 = tpu.vector_load %arg12[%swap3A_747, %swap3A_748] {strides = array<i32>} : memref<15x128xf32, #tpu.memory_space<vmem>>, vector<1x16xf32>,
      %swap3A_750 = vector.shape_cast %swap3A_749 : vector<1x16xf32> to vector<16xf32>
      %swap3A_751 = vector.shape_cast %get3A_745 : vector<16xf32> to vector<1x16xf32>
      tpu.vector_store %arg12[%swap3A_747, %swap3A_748], %swap3A_751 {strides = array<i32>} : memref<15x128xf32, #tpu.memory_space<vmem>>, vector<1x16xf32>,
      %get3A_752 = arith.constant 48 : index
      %get3A_753 = tpu.vector_load %arg11[%get3A_752] {strides = array<i32>} : memref<192xf32, #tpu.memory_space<vmem>>, vector<16xf32>,
      %get3A_754 = vector.shape_cast %get3A_753 : vector<16xf32> to vector<16xf32>
      %swap3A_755 = arith.constant 0 : i32
      %swap3A_756 = arith.index_cast %swap3A_755 : i32 to index
      %swap3A_757 = arith.constant 112 : index
      %swap3A_758 = tpu.vector_load %arg12[%swap3A_756, %swap3A_757] {strides = array<i32>} : memref<15x128xf32, #tpu.memory_space<vmem>>, vector<1x16xf32>,
      %swap3A_759 = vector.shape_cast %swap3A_758 : vector<1x16xf32> to vector<16xf32>
      %swap3A_760 = vector.shape_cast %get3A_754 : vector<16xf32> to vector<1x16xf32>
      tpu.vector_store %arg12[%swap3A_756, %swap3A_757], %swap3A_760 {strides = array<i32>} : memref<15x128xf32, #tpu.memory_space<vmem>>, vector<1x16xf32>,
      %get3A_761 = arith.constant 0 : index
      %get3A_762 = tpu.vector_load %arg10[%get3A_761] {strides = array<i32>} : memref<320xf32, #tpu.memory_space<vmem>>, vector<16xf32>,
      %get3A_763 = vector.shape_cast %get3A_762 : vector<16xf32> to vector<16xf32>
      %swap3A_764 = arith.constant 1 : i32
      %swap3A_765 = arith.index_cast %swap3A_764 : i32 to index
      %swap3A_766 = arith.constant 0 : index
      %swap3A_767 = tpu.vector_load %arg12[%swap3A_765, %swap3A_766] {strides = array<i32>} : memref<15x128xf32, #tpu.memory_space<vmem>>, vector<1x16xf32>,
      %swap3A_768 = vector.shape_cast %swap3A_767 : vector<1x16xf32> to vector<16xf32>
      %swap3A_769 = vector.shape_cast %get3A_763 : vector<16xf32> to vector<1x16xf32>
      tpu.vector_store %arg12[%swap3A_765, %swap3A_766], %swap3A_769 {strides = array<i32>} : memref<15x128xf32, #tpu.memory_space<vmem>>, vector<1x16xf32>,
      %get3A_770 = arith.constant 16 : index
      %get3A_771 = tpu.vector_load %arg10[%get3A_770] {strides = array<i32>} : memref<320xf32, #tpu.memory_space<vmem>>, vector<16xf32>,
      %get3A_772 = vector.shape_cast %get3A_771 : vector<16xf32> to vector<16xf32>
      %swap3A_773 = arith.constant 1 : i32
      %swap3A_774 = arith.index_cast %swap3A_773 : i32 to index
      %swap3A_775 = arith.constant 16 : index
      %swap3A_776 = tpu.vector_load %arg12[%swap3A_774, %swap3A_775] {strides = array<i32>} : memref<15x128xf32, #tpu.memory_space<vmem>>, vector<1x16xf32>,
      %swap3A_777 = vector.shape_cast %swap3A_776 : vector<1x16xf32> to vector<16xf32>
      %swap3A_778 = vector.shape_cast %get3A_772 : vector<16xf32> to vector<1x16xf32>
      tpu.vector_store %arg12[%swap3A_774, %swap3A_775], %swap3A_778 {strides = array<i32>} : memref<15x128xf32, #tpu.memory_space<vmem>>, vector<1x16xf32>,
      %get3A_779 = arith.constant 32 : index
      %get3A_780 = tpu.vector_load %arg10[%get3A_779] {strides = array<i32>} : memref<320xf32, #tpu.memory_space<vmem>>, vector<16xf32>,
      %get3A_781 = vector.shape_cast %get3A_780 : vector<16xf32> to vector<16xf32>
      %swap3A_782 = arith.constant 1 : i32
      %swap3A_783 = arith.index_cast %swap3A_782 : i32 to index
      %swap3A_784 = arith.constant 32 : index
      %swap3A_785 = tpu.vector_load %arg12[%swap3A_783, %swap3A_784] {strides = array<i32>} : memref<15x128xf32, #tpu.memory_space<vmem>>, vector<1x16xf32>,
      %swap3A_786 = vector.shape_cast %swap3A_785 : vector<1x16xf32> to vector<16xf32>
      %swap3A_787 = vector.shape_cast %get3A_781 : vector<16xf32> to vector<1x16xf32>
      tpu.vector_store %arg12[%swap3A_783, %swap3A_784], %swap3A_787 {strides = array<i32>} : memref<15x128xf32, #tpu.memory_space<vmem>>, vector<1x16xf32>,
      %get3A_788 = arith.constant 48 : index
      %get3A_789 = tpu.vector_load %arg10[%get3A_788] {strides = array<i32>} : memref<320xf32, #tpu.memory_space<vmem>>, vector<16xf32>,
      %get3A_790 = vector.shape_cast %get3A_789 : vector<16xf32> to vector<16xf32>
      %swap3A_791 = arith.constant 1 : i32
      %swap3A_792 = arith.index_cast %swap3A_791 : i32 to index
      %swap3A_793 = arith.constant 48 : index
      %swap3A_794 = tpu.vector_load %arg12[%swap3A_792, %swap3A_793] {strides = array<i32>} : memref<15x128xf32, #tpu.memory_space<vmem>>, vector<1x16xf32>,
      %swap3A_795 = vector.shape_cast %swap3A_794 : vector<1x16xf32> to vector<16xf32>
      %swap3A_796 = vector.shape_cast %get3A_790 : vector<16xf32> to vector<1x16xf32>
      tpu.vector_store %arg12[%swap3A_792, %swap3A_793], %swap3A_796 {strides = array<i32>} : memref<15x128xf32, #tpu.memory_space<vmem>>, vector<1x16xf32>,
      %get3A_797 = arith.constant 64 : index
      %get3A_798 = tpu.vector_load %arg11[%get3A_797] {strides = array<i32>} : memref<192xf32, #tpu.memory_space<vmem>>, vector<16xf32>,
      %get3A_799 = vector.shape_cast %get3A_798 : vector<16xf32> to vector<16xf32>
      %swap3A_800 = arith.constant 1 : i32
      %swap3A_801 = arith.index_cast %swap3A_800 : i32 to index
      %swap3A_802 = arith.constant 64 : index
      %swap3A_803 = tpu.vector_load %arg12[%swap3A_801, %swap3A_802] {strides = array<i32>} : memref<15x128xf32, #tpu.memory_space<vmem>>, vector<1x16xf32>,
      %swap3A_804 = vector.shape_cast %swap3A_803 : vector<1x16xf32> to vector<16xf32>
      %swap3A_805 = vector.shape_cast %get3A_799 : vector<16xf32> to vector<1x16xf32>
      tpu.vector_store %arg12[%swap3A_801, %swap3A_802], %swap3A_805 {strides = array<i32>} : memref<15x128xf32, #tpu.memory_space<vmem>>, vector<1x16xf32>,
      %get3A_806 = arith.constant 80 : index
      %get3A_807 = tpu.vector_load %arg11[%get3A_806] {strides = array<i32>} : memref<192xf32, #tpu.memory_space<vmem>>, vector<16xf32>,
      %get3A_808 = vector.shape_cast %get3A_807 : vector<16xf32> to vector<16xf32>
      %swap3A_809 = arith.constant 1 : i32
      %swap3A_810 = arith.index_cast %swap3A_809 : i32 to index
      %swap3A_811 = arith.constant 80 : index
      %swap3A_812 = tpu.vector_load %arg12[%swap3A_810, %swap3A_811] {strides = array<i32>} : memref<15x128xf32, #tpu.memory_space<vmem>>, vector<1x16xf32>,
      %swap3A_813 = vector.shape_cast %swap3A_812 : vector<1x16xf32> to vector<16xf32>
      %swap3A_814 = vector.shape_cast %get3A_808 : vector<16xf32> to vector<1x16xf32>
      tpu.vector_store %arg12[%swap3A_810, %swap3A_811], %swap3A_814 {strides = array<i32>} : memref<15x128xf32, #tpu.memory_space<vmem>>, vector<1x16xf32>,
      %get3A_815 = arith.constant 96 : index
      %get3A_816 = tpu.vector_load %arg11[%get3A_815] {strides = array<i32>} : memref<192xf32, #tpu.memory_space<vmem>>, vector<16xf32>,
      %get3A_817 = vector.shape_cast %get3A_816 : vector<16xf32> to vector<16xf32>
      %swap3A_818 = arith.constant 1 : i32
      %swap3A_819 = arith.index_cast %swap3A_818 : i32 to index
      %swap3A_820 = arith.constant 96 : index
      %swap3A_821 = tpu.vector_load %arg12[%swap3A_819, %swap3A_820] {strides = array<i32>} : memref<15x128xf32, #tpu.memory_space<vmem>>, vector<1x16xf32>,
      %swap3A_822 = vector.shape_cast %swap3A_821 : vector<1x16xf32> to vector<16xf32>
      %swap3A_823 = vector.shape_cast %get3A_817 : vector<16xf32> to vector<1x16xf32>
      tpu.vector_store %arg12[%swap3A_819, %swap3A_820], %swap3A_823 {strides = array<i32>} : memref<15x128xf32, #tpu.memory_space<vmem>>, vector<1x16xf32>,
      %get3A_824 = arith.constant 112 : index
      %get3A_825 = tpu.vector_load %arg11[%get3A_824] {strides = array<i32>} : memref<192xf32, #tpu.memory_space<vmem>>, vector<16xf32>,
      %get3A_826 = vector.shape_cast %get3A_825 : vector<16xf32> to vector<16xf32>
      %swap3A_827 = arith.constant 1 : i32
      %swap3A_828 = arith.index_cast %swap3A_827 : i32 to index
      %swap3A_829 = arith.constant 112 : index
      %swap3A_830 = tpu.vector_load %arg12[%swap3A_828, %swap3A_829] {strides = array<i32>} : memref<15x128xf32, #tpu.memory_space<vmem>>, vector<1x16xf32>,
      %swap3A_831 = vector.shape_cast %swap3A_830 : vector<1x16xf32> to vector<16xf32>
      %swap3A_832 = vector.shape_cast %get3A_826 : vector<16xf32> to vector<1x16xf32>
      tpu.vector_store %arg12[%swap3A_828, %swap3A_829], %swap3A_832 {strides = array<i32>} : memref<15x128xf32, #tpu.memory_space<vmem>>, vector<1x16xf32>,
      %get3A_833 = arith.constant 0 : index
      %get3A_834 = tpu.vector_load %arg10[%get3A_833] {strides = array<i32>} : memref<320xf32, #tpu.memory_space<vmem>>, vector<16xf32>,
      %get3A_835 = vector.shape_cast %get3A_834 : vector<16xf32> to vector<16xf32>
      %swap3A_836 = arith.constant 2 : i32
      %swap3A_837 = arith.index_cast %swap3A_836 : i32 to index
      %swap3A_838 = arith.constant 0 : index
      %swap3A_839 = tpu.vector_load %arg12[%swap3A_837, %swap3A_838] {strides = array<i32>} : memref<15x128xf32, #tpu.memory_space<vmem>>, vector<1x16xf32>,
      %swap3A_840 = vector.shape_cast %swap3A_839 : vector<1x16xf32> to vector<16xf32>
      %swap3A_841 = vector.shape_cast %get3A_835 : vector<16xf32> to vector<1x16xf32>
      tpu.vector_store %arg12[%swap3A_837, %swap3A_838], %swap3A_841 {strides = array<i32>} : memref<15x128xf32, #tpu.memory_space<vmem>>, vector<1x16xf32>,
      %get3A_842 = arith.constant 16 : index
      %get3A_843 = tpu.vector_load %arg10[%get3A_842] {strides = array<i32>} : memref<320xf32, #tpu.memory_space<vmem>>, vector<16xf32>,
      %get3A_844 = vector.shape_cast %get3A_843 : vector<16xf32> to vector<16xf32>
      %swap3A_845 = arith.constant 2 : i32
      %swap3A_846 = arith.index_cast %swap3A_845 : i32 to index
      %swap3A_847 = arith.constant 16 : index
      %swap3A_848 = tpu.vector_load %arg12[%swap3A_846, %swap3A_847] {strides = array<i32>} : memref<15x128xf32, #tpu.memory_space<vmem>>, vector<1x16xf32>,
      %swap3A_849 = vector.shape_cast %swap3A_848 : vector<1x16xf32> to vector<16xf32>
      %swap3A_850 = vector.shape_cast %get3A_844 : vector<16xf32> to vector<1x16xf32>
      tpu.vector_store %arg12[%swap3A_846, %swap3A_847], %swap3A_850 {strides = array<i32>} : memref<15x128xf32, #tpu.memory_space<vmem>>, vector<1x16xf32>,
      %get3A_851 = arith.constant 32 : index
      %get3A_852 = tpu.vector_load %arg10[%get3A_851] {strides = array<i32>} : memref<320xf32, #tpu.memory_space<vmem>>, vector<16xf32>,
      %get3A_853 = vector.shape_cast %get3A_852 : vector<16xf32> to vector<16xf32>
      %swap3A_854 = arith.constant 2 : i32
      %swap3A_855 = arith.index_cast %swap3A_854 : i32 to index
      %swap3A_856 = arith.constant 32 : index
      %swap3A_857 = tpu.vector_load %arg12[%swap3A_855, %swap3A_856] {strides = array<i32>} : memref<15x128xf32, #tpu.memory_space<vmem>>, vector<1x16xf32>,
      %swap3A_858 = vector.shape_cast %swap3A_857 : vector<1x16xf32> to vector<16xf32>
      %swap3A_859 = vector.shape_cast %get3A_853 : vector<16xf32> to vector<1x16xf32>
      tpu.vector_store %arg12[%swap3A_855, %swap3A_856], %swap3A_859 {strides = array<i32>} : memref<15x128xf32, #tpu.memory_space<vmem>>, vector<1x16xf32>,
      %get3A_860 = arith.constant 48 : index
      %get3A_861 = tpu.vector_load %arg10[%get3A_860] {strides = array<i32>} : memref<320xf32, #tpu.memory_space<vmem>>, vector<16xf32>,
      %get3A_862 = vector.shape_cast %get3A_861 : vector<16xf32> to vector<16xf32>
      %swap3A_863 = arith.constant 2 : i32
      %swap3A_864 = arith.index_cast %swap3A_863 : i32 to index
      %swap3A_865 = arith.constant 48 : index
      %swap3A_866 = tpu.vector_load %arg12[%swap3A_864, %swap3A_865] {strides = array<i32>} : memref<15x128xf32, #tpu.memory_space<vmem>>, vector<1x16xf32>,
      %swap3A_867 = vector.shape_cast %swap3A_866 : vector<1x16xf32> to vector<16xf32>
      %swap3A_868 = vector.shape_cast %get3A_862 : vector<16xf32> to vector<1x16xf32>
      tpu.vector_store %arg12[%swap3A_864, %swap3A_865], %swap3A_868 {strides = array<i32>} : memref<15x128xf32, #tpu.memory_space<vmem>>, vector<1x16xf32>,
      %get3A_869 = arith.constant 128 : index
      %get3A_870 = tpu.vector_load %arg11[%get3A_869] {strides = array<i32>} : memref<192xf32, #tpu.memory_space<vmem>>, vector<16xf32>,
      %get3A_871 = vector.shape_cast %get3A_870 : vector<16xf32> to vector<16xf32>
      %swap3A_872 = arith.constant 2 : i32
      %swap3A_873 = arith.index_cast %swap3A_872 : i32 to index
      %swap3A_874 = arith.constant 64 : index
      %swap3A_875 = tpu.vector_load %arg12[%swap3A_873, %swap3A_874] {strides = array<i32>} : memref<15x128xf32, #tpu.memory_space<vmem>>, vector<1x16xf32>,
      %swap3A_876 = vector.shape_cast %swap3A_875 : vector<1x16xf32> to vector<16xf32>
      %swap3A_877 = vector.shape_cast %get3A_871 : vector<16xf32> to vector<1x16xf32>
      tpu.vector_store %arg12[%swap3A_873, %swap3A_874], %swap3A_877 {strides = array<i32>} : memref<15x128xf32, #tpu.memory_space<vmem>>, vector<1x16xf32>,
      %get3A_878 = arith.constant 144 : index
      %get3A_879 = tpu.vector_load %arg11[%get3A_878] {strides = array<i32>} : memref<192xf32, #tpu.memory_space<vmem>>, vector<16xf32>,
      %get3A_880 = vector.shape_cast %get3A_879 : vector<16xf32> to vector<16xf32>
      %swap3A_881 = arith.constant 2 : i32
      %swap3A_882 = arith.index_cast %swap3A_881 : i32 to index
      %swap3A_883 = arith.constant 80 : index
      %swap3A_884 = tpu.vector_load %arg12[%swap3A_882, %swap3A_883] {strides = array<i32>} : memref<15x128xf32, #tpu.memory_space<vmem>>, vector<1x16xf32>,
      %swap3A_885 = vector.shape_cast %swap3A_884 : vector<1x16xf32> to vector<16xf32>
      %swap3A_886 = vector.shape_cast %get3A_880 : vector<16xf32> to vector<1x16xf32>
      tpu.vector_store %arg12[%swap3A_882, %swap3A_883], %swap3A_886 {strides = array<i32>} : memref<15x128xf32, #tpu.memory_space<vmem>>, vector<1x16xf32>,
      %get3A_887 = arith.constant 160 : index
      %get3A_888 = tpu.vector_load %arg11[%get3A_887] {strides = array<i32>} : memref<192xf32, #tpu.memory_space<vmem>>, vector<16xf32>,
      %get3A_889 = vector.shape_cast %get3A_888 : vector<16xf32> to vector<16xf32>
      %swap3A_890 = arith.constant 2 : i32
      %swap3A_891 = arith.index_cast %swap3A_890 : i32 to index
      %swap3A_892 = arith.constant 96 : index
      %swap3A_893 = tpu.vector_load %arg12[%swap3A_891, %swap3A_892] {strides = array<i32>} : memref<15x128xf32, #tpu.memory_space<vmem>>, vector<1x16xf32>,
      %swap3A_894 = vector.shape_cast %swap3A_893 : vector<1x16xf32> to vector<16xf32>
      %swap3A_895 = vector.shape_cast %get3A_889 : vector<16xf32> to vector<1x16xf32>
      tpu.vector_store %arg12[%swap3A_891, %swap3A_892], %swap3A_895 {strides = array<i32>} : memref<15x128xf32, #tpu.memory_space<vmem>>, vector<1x16xf32>,
      %get3A_896 = arith.constant 176 : index
      %get3A_897 = tpu.vector_load %arg11[%get3A_896] {strides = array<i32>} : memref<192xf32, #tpu.memory_space<vmem>>, vector<16xf32>,
      %get3A_898 = vector.shape_cast %get3A_897 : vector<16xf32> to vector<16xf32>
      %swap3A_899 = arith.constant 2 : i32
      %swap3A_900 = arith.index_cast %swap3A_899 : i32 to index
      %swap3A_901 = arith.constant 112 : index
      %swap3A_902 = tpu.vector_load %arg12[%swap3A_900, %swap3A_901] {strides = array<i32>} : memref<15x128xf32, #tpu.memory_space<vmem>>, vector<1x16xf32>,
      %swap3A_903 = vector.shape_cast %swap3A_902 : vector<1x16xf32> to vector<16xf32>
      %swap3A_904 = vector.shape_cast %get3A_898 : vector<16xf32> to vector<1x16xf32>
      tpu.vector_store %arg12[%swap3A_900, %swap3A_901], %swap3A_904 {strides = array<i32>} : memref<15x128xf32, #tpu.memory_space<vmem>>, vector<1x16xf32>,
      %get3A_905 = arith.constant 64 : index
      %get3A_906 = tpu.vector_load %arg10[%get3A_905] {strides = array<i32>} : memref<320xf32, #tpu.memory_space<vmem>>, vector<16xf32>,
      %get3A_907 = vector.shape_cast %get3A_906 : vector<16xf32> to vector<16xf32>
      %swap3A_908 = arith.constant 3 : i32
      %swap3A_909 = arith.index_cast %swap3A_908 : i32 to index
      %swap3A_910 = arith.constant 0 : index
      %swap3A_911 = tpu.vector_load %arg12[%swap3A_909, %swap3A_910] {strides = array<i32>} : memref<15x128xf32, #tpu.memory_space<vmem>>, vector<1x16xf32>,
      %swap3A_912 = vector.shape_cast %swap3A_911 : vector<1x16xf32> to vector<16xf32>
      %swap3A_913 = vector.shape_cast %get3A_907 : vector<16xf32> to vector<1x16xf32>
      tpu.vector_store %arg12[%swap3A_909, %swap3A_910], %swap3A_913 {strides = array<i32>} : memref<15x128xf32, #tpu.memory_space<vmem>>, vector<1x16xf32>,
      %get3A_914 = arith.constant 80 : index
      %get3A_915 = tpu.vector_load %arg10[%get3A_914] {strides = array<i32>} : memref<320xf32, #tpu.memory_space<vmem>>, vector<16xf32>,
      %get3A_916 = vector.shape_cast %get3A_915 : vector<16xf32> to vector<16xf32>
      %swap3A_917 = arith.constant 3 : i32
      %swap3A_918 = arith.index_cast %swap3A_917 : i32 to index
      %swap3A_919 = arith.constant 16 : index
      %swap3A_920 = tpu.vector_load %arg12[%swap3A_918, %swap3A_919] {strides = array<i32>} : memref<15x128xf32, #tpu.memory_space<vmem>>, vector<1x16xf32>,
      %swap3A_921 = vector.shape_cast %swap3A_920 : vector<1x16xf32> to vector<16xf32>
      %swap3A_922 = vector.shape_cast %get3A_916 : vector<16xf32> to vector<1x16xf32>
      tpu.vector_store %arg12[%swap3A_918, %swap3A_919], %swap3A_922 {strides = array<i32>} : memref<15x128xf32, #tpu.memory_space<vmem>>, vector<1x16xf32>,
      %get3A_923 = arith.constant 96 : index
      %get3A_924 = tpu.vector_load %arg10[%get3A_923] {strides = array<i32>} : memref<320xf32, #tpu.memory_space<vmem>>, vector<16xf32>,
      %get3A_925 = vector.shape_cast %get3A_924 : vector<16xf32> to vector<16xf32>
      %swap3A_926 = arith.constant 3 : i32
      %swap3A_927 = arith.index_cast %swap3A_926 : i32 to index
      %swap3A_928 = arith.constant 32 : index
      %swap3A_929 = tpu.vector_load %arg12[%swap3A_927, %swap3A_928] {strides = array<i32>} : memref<15x128xf32, #tpu.memory_space<vmem>>, vector<1x16xf32>,
      %swap3A_930 = vector.shape_cast %swap3A_929 : vector<1x16xf32> to vector<16xf32>
      %swap3A_931 = vector.shape_cast %get3A_925 : vector<16xf32> to vector<1x16xf32>
      tpu.vector_store %arg12[%swap3A_927, %swap3A_928], %swap3A_931 {strides = array<i32>} : memref<15x128xf32, #tpu.memory_space<vmem>>, vector<1x16xf32>,
      %get3A_932 = arith.constant 112 : index
      %get3A_933 = tpu.vector_load %arg10[%get3A_932] {strides = array<i32>} : memref<320xf32, #tpu.memory_space<vmem>>, vector<16xf32>,
      %get3A_934 = vector.shape_cast %get3A_933 : vector<16xf32> to vector<16xf32>
      %swap3A_935 = arith.constant 3 : i32
      %swap3A_936 = arith.index_cast %swap3A_935 : i32 to index
      %swap3A_937 = arith.constant 48 : index
      %swap3A_938 = tpu.vector_load %arg12[%swap3A_936, %swap3A_937] {strides = array<i32>} : memref<15x128xf32, #tpu.memory_space<vmem>>, vector<1x16xf32>,
      %swap3A_939 = vector.shape_cast %swap3A_938 : vector<1x16xf32> to vector<16xf32>
      %swap3A_940 = vector.shape_cast %get3A_934 : vector<16xf32> to vector<1x16xf32>
      tpu.vector_store %arg12[%swap3A_936, %swap3A_937], %swap3A_940 {strides = array<i32>} : memref<15x128xf32, #tpu.memory_space<vmem>>, vector<1x16xf32>,
      %get3A_941 = arith.constant 0 : index
      %get3A_942 = tpu.vector_load %arg11[%get3A_941] {strides = array<i32>} : memref<192xf32, #tpu.memory_space<vmem>>, vector<16xf32>,
      %get3A_943 = vector.shape_cast %get3A_942 : vector<16xf32> to vector<16xf32>
      %swap3A_944 = arith.constant 3 : i32
      %swap3A_945 = arith.index_cast %swap3A_944 : i32 to index
      %swap3A_946 = arith.constant 64 : index
      %swap3A_947 = tpu.vector_load %arg12[%swap3A_945, %swap3A_946] {strides = array<i32>} : memref<15x128xf32, #tpu.memory_space<vmem>>, vector<1x16xf32>,
      %swap3A_948 = vector.shape_cast %swap3A_947 : vector<1x16xf32> to vector<16xf32>
      %swap3A_949 = vector.shape_cast %get3A_943 : vector<16xf32> to vector<1x16xf32>
      tpu.vector_store %arg12[%swap3A_945, %swap3A_946], %swap3A_949 {strides = array<i32>} : memref<15x128xf32, #tpu.memory_space<vmem>>, vector<1x16xf32>,
      %get3A_950 = arith.constant 16 : index
      %get3A_951 = tpu.vector_load %arg11[%get3A_950] {strides = array<i32>} : memref<192xf32, #tpu.memory_space<vmem>>, vector<16xf32>,
      %get3A_952 = vector.shape_cast %get3A_951 : vector<16xf32> to vector<16xf32>
      %swap3A_953 = arith.constant 3 : i32
      %swap3A_954 = arith.index_cast %swap3A_953 : i32 to index
      %swap3A_955 = arith.constant 80 : index
      %swap3A_956 = tpu.vector_load %arg12[%swap3A_954, %swap3A_955] {strides = array<i32>} : memref<15x128xf32, #tpu.memory_space<vmem>>, vector<1x16xf32>,
      %swap3A_957 = vector.shape_cast %swap3A_956 : vector<1x16xf32> to vector<16xf32>
      %swap3A_958 = vector.shape_cast %get3A_952 : vector<16xf32> to vector<1x16xf32>
      tpu.vector_store %arg12[%swap3A_954, %swap3A_955], %swap3A_958 {strides = array<i32>} : memref<15x128xf32, #tpu.memory_space<vmem>>, vector<1x16xf32>,
      %get3A_959 = arith.constant 32 : index
      %get3A_960 = tpu.vector_load %arg11[%get3A_959] {strides = array<i32>} : memref<192xf32, #tpu.memory_space<vmem>>, vector<16xf32>,
      %get3A_961 = vector.shape_cast %get3A_960 : vector<16xf32> to vector<16xf32>
      %swap3A_962 = arith.constant 3 : i32
      %swap3A_963 = arith.index_cast %swap3A_962 : i32 to index
      %swap3A_964 = arith.constant 96 : index
      %swap3A_965 = tpu.vector_load %arg12[%swap3A_963, %swap3A_964] {strides = array<i32>} : memref<15x128xf32, #tpu.memory_space<vmem>>, vector<1x16xf32>,
      %swap3A_966 = vector.shape_cast %swap3A_965 : vector<1x16xf32> to vector<16xf32>
      %swap3A_967 = vector.shape_cast %get3A_961 : vector<16xf32> to vector<1x16xf32>
      tpu.vector_store %arg12[%swap3A_963, %swap3A_964], %swap3A_967 {strides = array<i32>} : memref<15x128xf32, #tpu.memory_space<vmem>>, vector<1x16xf32>,
      %get3A_968 = arith.constant 48 : index
      %get3A_969 = tpu.vector_load %arg11[%get3A_968] {strides = array<i32>} : memref<192xf32, #tpu.memory_space<vmem>>, vector<16xf32>,
      %get3A_970 = vector.shape_cast %get3A_969 : vector<16xf32> to vector<16xf32>
      %swap3A_971 = arith.constant 3 : i32
      %swap3A_972 = arith.index_cast %swap3A_971 : i32 to index
      %swap3A_973 = arith.constant 112 : index
      %swap3A_974 = tpu.vector_load %arg12[%swap3A_972, %swap3A_973] {strides = array<i32>} : memref<15x128xf32, #tpu.memory_space<vmem>>, vector<1x16xf32>,
      %swap3A_975 = vector.shape_cast %swap3A_974 : vector<1x16xf32> to vector<16xf32>
      %swap3A_976 = vector.shape_cast %get3A_970 : vector<16xf32> to vector<1x16xf32>
      tpu.vector_store %arg12[%swap3A_972, %swap3A_973], %swap3A_976 {strides = array<i32>} : memref<15x128xf32, #tpu.memory_space<vmem>>, vector<1x16xf32>,
      %get3A_977 = arith.constant 64 : index
      %get3A_978 = tpu.vector_load %arg10[%get3A_977] {strides = array<i32>} : memref<320xf32, #tpu.memory_space<vmem>>, vector<16xf32>,
      %get3A_979 = vector.shape_cast %get3A_978 : vector<16xf32> to vector<16xf32>
      %swap3A_980 = arith.constant 4 : i32
      %swap3A_981 = arith.index_cast %swap3A_980 : i32 to index
      %swap3A_982 = arith.constant 0 : index
      %swap3A_983 = tpu.vector_load %arg12[%swap3A_981, %swap3A_982] {strides = array<i32>} : memref<15x128xf32, #tpu.memory_space<vmem>>, vector<1x16xf32>,
      %swap3A_984 = vector.shape_cast %swap3A_983 : vector<1x16xf32> to vector<16xf32>
      %swap3A_985 = vector.shape_cast %get3A_979 : vector<16xf32> to vector<1x16xf32>
      tpu.vector_store %arg12[%swap3A_981, %swap3A_982], %swap3A_985 {strides = array<i32>} : memref<15x128xf32, #tpu.memory_space<vmem>>, vector<1x16xf32>,
      %get3A_986 = arith.constant 80 : index
      %get3A_987 = tpu.vector_load %arg10[%get3A_986] {strides = array<i32>} : memref<320xf32, #tpu.memory_space<vmem>>, vector<16xf32>,
      %get3A_988 = vector.shape_cast %get3A_987 : vector<16xf32> to vector<16xf32>
      %swap3A_989 = arith.constant 4 : i32
      %swap3A_990 = arith.index_cast %swap3A_989 : i32 to index
      %swap3A_991 = arith.constant 16 : index
      %swap3A_992 = tpu.vector_load %arg12[%swap3A_990, %swap3A_991] {strides = array<i32>} : memref<15x128xf32, #tpu.memory_space<vmem>>, vector<1x16xf32>,
      %swap3A_993 = vector.shape_cast %swap3A_992 : vector<1x16xf32> to vector<16xf32>
      %swap3A_994 = vector.shape_cast %get3A_988 : vector<16xf32> to vector<1x16xf32>
      tpu.vector_store %arg12[%swap3A_990, %swap3A_991], %swap3A_994 {strides = array<i32>} : memref<15x128xf32, #tpu.memory_space<vmem>>, vector<1x16xf32>,
      %get3A_995 = arith.constant 96 : index
      %get3A_996 = tpu.vector_load %arg10[%get3A_995] {strides = array<i32>} : memref<320xf32, #tpu.memory_space<vmem>>, vector<16xf32>,
      %get3A_997 = vector.shape_cast %get3A_996 : vector<16xf32> to vector<16xf32>
      %swap3A_998 = arith.constant 4 : i32
      %swap3A_999 = arith.index_cast %swap3A_998 : i32 to index
      %swap3A_1000 = arith.constant 32 : index
      %swap3A_1001 = tpu.vector_load %arg12[%swap3A_999, %swap3A_1000] {strides = array<i32>} : memref<15x128xf32, #tpu.memory_space<vmem>>, vector<1x16xf32>,
      %swap3A_1002 = vector.shape_cast %swap3A_1001 : vector<1x16xf32> to vector<16xf32>
      %swap3A_1003 = vector.shape_cast %get3A_997 : vector<16xf32> to vector<1x16xf32>
      tpu.vector_store %arg12[%swap3A_999, %swap3A_1000], %swap3A_1003 {strides = array<i32>} : memref<15x128xf32, #tpu.memory_space<vmem>>, vector<1x16xf32>,
      %get3A_1004 = arith.constant 112 : index
      %get3A_1005 = tpu.vector_load %arg10[%get3A_1004] {strides = array<i32>} : memref<320xf32, #tpu.memory_space<vmem>>, vector<16xf32>,
      %get3A_1006 = vector.shape_cast %get3A_1005 : vector<16xf32> to vector<16xf32>
      %swap3A_1007 = arith.constant 4 : i32
      %swap3A_1008 = arith.index_cast %swap3A_1007 : i32 to index
      %swap3A_1009 = arith.constant 48 : index
      %swap3A_1010 = tpu.vector_load %arg12[%swap3A_1008, %swap3A_1009] {strides = array<i32>} : memref<15x128xf32, #tpu.memory_space<vmem>>, vector<1x16xf32>,
      %swap3A_1011 = vector.shape_cast %swap3A_1010 : vector<1x16xf32> to vector<16xf32>
      %swap3A_1012 = vector.shape_cast %get3A_1006 : vector<16xf32> to vector<1x16xf32>
      tpu.vector_store %arg12[%swap3A_1008, %swap3A_1009], %swap3A_1012 {strides = array<i32>} : memref<15x128xf32, #tpu.memory_space<vmem>>, vector<1x16xf32>,
      %get3A_1013 = arith.constant 64 : index
      %get3A_1014 = tpu.vector_load %arg11[%get3A_1013] {strides = array<i32>} : memref<192xf32, #tpu.memory_space<vmem>>, vector<16xf32>,
      %get3A_1015 = vector.shape_cast %get3A_1014 : vector<16xf32> to vector<16xf32>
      %swap3A_1016 = arith.constant 4 : i32
      %swap3A_1017 = arith.index_cast %swap3A_1016 : i32 to index
      %swap3A_1018 = arith.constant 64 : index
      %swap3A_1019 = tpu.vector_load %arg12[%swap3A_1017, %swap3A_1018] {strides = array<i32>} : memref<15x128xf32, #tpu.memory_space<vmem>>, vector<1x16xf32>,
      %swap3A_1020 = vector.shape_cast %swap3A_1019 : vector<1x16xf32> to vector<16xf32>
      %swap3A_1021 = vector.shape_cast %get3A_1015 : vector<16xf32> to vector<1x16xf32>
      tpu.vector_store %arg12[%swap3A_1017, %swap3A_1018], %swap3A_1021 {strides = array<i32>} : memref<15x128xf32, #tpu.memory_space<vmem>>, vector<1x16xf32>,
      %get3A_1022 = arith.constant 80 : index
      %get3A_1023 = tpu.vector_load %arg11[%get3A_1022] {strides = array<i32>} : memref<192xf32, #tpu.memory_space<vmem>>, vector<16xf32>,
      %get3A_1024 = vector.shape_cast %get3A_1023 : vector<16xf32> to vector<16xf32>
      %swap3A_1025 = arith.constant 4 : i32
      %swap3A_1026 = arith.index_cast %swap3A_1025 : i32 to index
      %swap3A_1027 = arith.constant 80 : index
      %swap3A_1028 = tpu.vector_load %arg12[%swap3A_1026, %swap3A_1027] {strides = array<i32>} : memref<15x128xf32, #tpu.memory_space<vmem>>, vector<1x16xf32>,
      %swap3A_1029 = vector.shape_cast %swap3A_1028 : vector<1x16xf32> to vector<16xf32>
      %swap3A_1030 = vector.shape_cast %get3A_1024 : vector<16xf32> to vector<1x16xf32>
      tpu.vector_store %arg12[%swap3A_1026, %swap3A_1027], %swap3A_1030 {strides = array<i32>} : memref<15x128xf32, #tpu.memory_space<vmem>>, vector<1x16xf32>,
      %get3A_1031 = arith.constant 96 : index
      %get3A_1032 = tpu.vector_load %arg11[%get3A_1031] {strides = array<i32>} : memref<192xf32, #tpu.memory_space<vmem>>, vector<16xf32>,
      %get3A_1033 = vector.shape_cast %get3A_1032 : vector<16xf32> to vector<16xf32>
      %swap3A_1034 = arith.constant 4 : i32
      %swap3A_1035 = arith.index_cast %swap3A_1034 : i32 to index
      %swap3A_1036 = arith.constant 96 : index
      %swap3A_1037 = tpu.vector_load %arg12[%swap3A_1035, %swap3A_1036] {strides = array<i32>} : memref<15x128xf32, #tpu.memory_space<vmem>>, vector<1x16xf32>,
      %swap3A_1038 = vector.shape_cast %swap3A_1037 : vector<1x16xf32> to vector<16xf32>
      %swap3A_1039 = vector.shape_cast %get3A_1033 : vector<16xf32> to vector<1x16xf32>
      tpu.vector_store %arg12[%swap3A_1035, %swap3A_1036], %swap3A_1039 {strides = array<i32>} : memref<15x128xf32, #tpu.memory_space<vmem>>, vector<1x16xf32>,
      %get3A_1040 = arith.constant 112 : index
      %get3A_1041 = tpu.vector_load %arg11[%get3A_1040] {strides = array<i32>} : memref<192xf32, #tpu.memory_space<vmem>>, vector<16xf32>,
      %get3A_1042 = vector.shape_cast %get3A_1041 : vector<16xf32> to vector<16xf32>
      %swap3A_1043 = arith.constant 4 : i32
      %swap3A_1044 = arith.index_cast %swap3A_1043 : i32 to index
      %swap3A_1045 = arith.constant 112 : index
      %swap3A_1046 = tpu.vector_load %arg12[%swap3A_1044, %swap3A_1045] {strides = array<i32>} : memref<15x128xf32, #tpu.memory_space<vmem>>, vector<1x16xf32>,
      %swap3A_1047 = vector.shape_cast %swap3A_1046 : vector<1x16xf32> to vector<16xf32>
      %swap3A_1048 = vector.shape_cast %get3A_1042 : vector<16xf32> to vector<1x16xf32>
      tpu.vector_store %arg12[%swap3A_1044, %swap3A_1045], %swap3A_1048 {strides = array<i32>} : memref<15x128xf32, #tpu.memory_space<vmem>>, vector<1x16xf32>,
      %get3A_1049 = arith.constant 64 : index
      %get3A_1050 = tpu.vector_load %arg10[%get3A_1049] {strides = array<i32>} : memref<320xf32, #tpu.memory_space<vmem>>, vector<16xf32>,
      %get3A_1051 = vector.shape_cast %get3A_1050 : vector<16xf32> to vector<16xf32>
      %swap3A_1052 = arith.constant 5 : i32
      %swap3A_1053 = arith.index_cast %swap3A_1052 : i32 to index
      %swap3A_1054 = arith.constant 0 : index
      %swap3A_1055 = tpu.vector_load %arg12[%swap3A_1053, %swap3A_1054] {strides = array<i32>} : memref<15x128xf32, #tpu.memory_space<vmem>>, vector<1x16xf32>,
      %swap3A_1056 = vector.shape_cast %swap3A_1055 : vector<1x16xf32> to vector<16xf32>
      %swap3A_1057 = vector.shape_cast %get3A_1051 : vector<16xf32> to vector<1x16xf32>
      tpu.vector_store %arg12[%swap3A_1053, %swap3A_1054], %swap3A_1057 {strides = array<i32>} : memref<15x128xf32, #tpu.memory_space<vmem>>, vector<1x16xf32>,
      %get3A_1058 = arith.constant 80 : index
      %get3A_1059 = tpu.vector_load %arg10[%get3A_1058] {strides = array<i32>} : memref<320xf32, #tpu.memory_space<vmem>>, vector<16xf32>,
      %get3A_1060 = vector.shape_cast %get3A_1059 : vector<16xf32> to vector<16xf32>
      %swap3A_1061 = arith.constant 5 : i32
      %swap3A_1062 = arith.index_cast %swap3A_1061 : i32 to index
      %swap3A_1063 = arith.constant 16 : index
      %swap3A_1064 = tpu.vector_load %arg12[%swap3A_1062, %swap3A_1063] {strides = array<i32>} : memref<15x128xf32, #tpu.memory_space<vmem>>, vector<1x16xf32>,
      %swap3A_1065 = vector.shape_cast %swap3A_1064 : vector<1x16xf32> to vector<16xf32>
      %swap3A_1066 = vector.shape_cast %get3A_1060 : vector<16xf32> to vector<1x16xf32>
      tpu.vector_store %arg12[%swap3A_1062, %swap3A_1063], %swap3A_1066 {strides = array<i32>} : memref<15x128xf32, #tpu.memory_space<vmem>>, vector<1x16xf32>,
      %get3A_1067 = arith.constant 96 : index
      %get3A_1068 = tpu.vector_load %arg10[%get3A_1067] {strides = array<i32>} : memref<320xf32, #tpu.memory_space<vmem>>, vector<16xf32>,
      %get3A_1069 = vector.shape_cast %get3A_1068 : vector<16xf32> to vector<16xf32>
      %swap3A_1070 = arith.constant 5 : i32
      %swap3A_1071 = arith.index_cast %swap3A_1070 : i32 to index
      %swap3A_1072 = arith.constant 32 : index
      %swap3A_1073 = tpu.vector_load %arg12[%swap3A_1071, %swap3A_1072] {strides = array<i32>} : memref<15x128xf32, #tpu.memory_space<vmem>>, vector<1x16xf32>,
      %swap3A_1074 = vector.shape_cast %swap3A_1073 : vector<1x16xf32> to vector<16xf32>
      %swap3A_1075 = vector.shape_cast %get3A_1069 : vector<16xf32> to vector<1x16xf32>
      tpu.vector_store %arg12[%swap3A_1071, %swap3A_1072], %swap3A_1075 {strides = array<i32>} : memref<15x128xf32, #tpu.memory_space<vmem>>, vector<1x16xf32>,
      %get3A_1076 = arith.constant 112 : index
      %get3A_1077 = tpu.vector_load %arg10[%get3A_1076] {strides = array<i32>} : memref<320xf32, #tpu.memory_space<vmem>>, vector<16xf32>,
      %get3A_1078 = vector.shape_cast %get3A_1077 : vector<16xf32> to vector<16xf32>
      %swap3A_1079 = arith.constant 5 : i32
      %swap3A_1080 = arith.index_cast %swap3A_1079 : i32 to index
      %swap3A_1081 = arith.constant 48 : index
      %swap3A_1082 = tpu.vector_load %arg12[%swap3A_1080, %swap3A_1081] {strides = array<i32>} : memref<15x128xf32, #tpu.memory_space<vmem>>, vector<1x16xf32>,
      %swap3A_1083 = vector.shape_cast %swap3A_1082 : vector<1x16xf32> to vector<16xf32>
      %swap3A_1084 = vector.shape_cast %get3A_1078 : vector<16xf32> to vector<1x16xf32>
      tpu.vector_store %arg12[%swap3A_1080, %swap3A_1081], %swap3A_1084 {strides = array<i32>} : memref<15x128xf32, #tpu.memory_space<vmem>>, vector<1x16xf32>,
      %get3A_1085 = arith.constant 128 : index
      %get3A_1086 = tpu.vector_load %arg11[%get3A_1085] {strides = array<i32>} : memref<192xf32, #tpu.memory_space<vmem>>, vector<16xf32>,
      %get3A_1087 = vector.shape_cast %get3A_1086 : vector<16xf32> to vector<16xf32>
      %swap3A_1088 = arith.constant 5 : i32
      %swap3A_1089 = arith.index_cast %swap3A_1088 : i32 to index
      %swap3A_1090 = arith.constant 64 : index
      %swap3A_1091 = tpu.vector_load %arg12[%swap3A_1089, %swap3A_1090] {strides = array<i32>} : memref<15x128xf32, #tpu.memory_space<vmem>>, vector<1x16xf32>,
      %swap3A_1092 = vector.shape_cast %swap3A_1091 : vector<1x16xf32> to vector<16xf32>
      %swap3A_1093 = vector.shape_cast %get3A_1087 : vector<16xf32> to vector<1x16xf32>
      tpu.vector_store %arg12[%swap3A_1089, %swap3A_1090], %swap3A_1093 {strides = array<i32>} : memref<15x128xf32, #tpu.memory_space<vmem>>, vector<1x16xf32>,
      %get3A_1094 = arith.constant 144 : index
      %get3A_1095 = tpu.vector_load %arg11[%get3A_1094] {strides = array<i32>} : memref<192xf32, #tpu.memory_space<vmem>>, vector<16xf32>,
      %get3A_1096 = vector.shape_cast %get3A_1095 : vector<16xf32> to vector<16xf32>
      %swap3A_1097 = arith.constant 5 : i32
      %swap3A_1098 = arith.index_cast %swap3A_1097 : i32 to index
      %swap3A_1099 = arith.constant 80 : index
      %swap3A_1100 = tpu.vector_load %arg12[%swap3A_1098, %swap3A_1099] {strides = array<i32>} : memref<15x128xf32, #tpu.memory_space<vmem>>, vector<1x16xf32>,
      %swap3A_1101 = vector.shape_cast %swap3A_1100 : vector<1x16xf32> to vector<16xf32>
      %swap3A_1102 = vector.shape_cast %get3A_1096 : vector<16xf32> to vector<1x16xf32>
      tpu.vector_store %arg12[%swap3A_1098, %swap3A_1099], %swap3A_1102 {strides = array<i32>} : memref<15x128xf32, #tpu.memory_space<vmem>>, vector<1x16xf32>,
      %get3A_1103 = arith.constant 160 : index
      %get3A_1104 = tpu.vector_load %arg11[%get3A_1103] {strides = array<i32>} : memref<192xf32, #tpu.memory_space<vmem>>, vector<16xf32>,
      %get3A_1105 = vector.shape_cast %get3A_1104 : vector<16xf32> to vector<16xf32>
      %swap3A_1106 = arith.constant 5 : i32
      %swap3A_1107 = arith.index_cast %swap3A_1106 : i32 to index
      %swap3A_1108 = arith.constant 96 : index
      %swap3A_1109 = tpu.vector_load %arg12[%swap3A_1107, %swap3A_1108] {strides = array<i32>} : memref<15x128xf32, #tpu.memory_space<vmem>>, vector<1x16xf32>,
      %swap3A_1110 = vector.shape_cast %swap3A_1109 : vector<1x16xf32> to vector<16xf32>
      %swap3A_1111 = vector.shape_cast %get3A_1105 : vector<16xf32> to vector<1x16xf32>
      tpu.vector_store %arg12[%swap3A_1107, %swap3A_1108], %swap3A_1111 {strides = array<i32>} : memref<15x128xf32, #tpu.memory_space<vmem>>, vector<1x16xf32>,
      %get3A_1112 = arith.constant 176 : index
      %get3A_1113 = tpu.vector_load %arg11[%get3A_1112] {strides = array<i32>} : memref<192xf32, #tpu.memory_space<vmem>>, vector<16xf32>,
      %get3A_1114 = vector.shape_cast %get3A_1113 : vector<16xf32> to vector<16xf32>
      %swap3A_1115 = arith.constant 5 : i32
      %swap3A_1116 = arith.index_cast %swap3A_1115 : i32 to index
      %swap3A_1117 = arith.constant 112 : index
      %swap3A_1118 = tpu.vector_load %arg12[%swap3A_1116, %swap3A_1117] {strides = array<i32>} : memref<15x128xf32, #tpu.memory_space<vmem>>, vector<1x16xf32>,
      %swap3A_1119 = vector.shape_cast %swap3A_1118 : vector<1x16xf32> to vector<16xf32>
      %swap3A_1120 = vector.shape_cast %get3A_1114 : vector<16xf32> to vector<1x16xf32>
      tpu.vector_store %arg12[%swap3A_1116, %swap3A_1117], %swap3A_1120 {strides = array<i32>} : memref<15x128xf32, #tpu.memory_space<vmem>>, vector<1x16xf32>,
      %get3A_1121 = arith.constant 128 : index
      %get3A_1122 = tpu.vector_load %arg10[%get3A_1121] {strides = array<i32>} : memref<320xf32, #tpu.memory_space<vmem>>, vector<16xf32>,
      %get3A_1123 = vector.shape_cast %get3A_1122 : vector<16xf32> to vector<16xf32>
      %swap3A_1124 = arith.constant 6 : i32
      %swap3A_1125 = arith.index_cast %swap3A_1124 : i32 to index
      %swap3A_1126 = arith.constant 0 : index
      %swap3A_1127 = tpu.vector_load %arg12[%swap3A_1125, %swap3A_1126] {strides = array<i32>} : memref<15x128xf32, #tpu.memory_space<vmem>>, vector<1x16xf32>,
      %swap3A_1128 = vector.shape_cast %swap3A_1127 : vector<1x16xf32> to vector<16xf32>
      %swap3A_1129 = vector.shape_cast %get3A_1123 : vector<16xf32> to vector<1x16xf32>
      tpu.vector_store %arg12[%swap3A_1125, %swap3A_1126], %swap3A_1129 {strides = array<i32>} : memref<15x128xf32, #tpu.memory_space<vmem>>, vector<1x16xf32>,
      %get3A_1130 = arith.constant 144 : index
      %get3A_1131 = tpu.vector_load %arg10[%get3A_1130] {strides = array<i32>} : memref<320xf32, #tpu.memory_space<vmem>>, vector<16xf32>,
      %get3A_1132 = vector.shape_cast %get3A_1131 : vector<16xf32> to vector<16xf32>
      %swap3A_1133 = arith.constant 6 : i32
      %swap3A_1134 = arith.index_cast %swap3A_1133 : i32 to index
      %swap3A_1135 = arith.constant 16 : index
      %swap3A_1136 = tpu.vector_load %arg12[%swap3A_1134, %swap3A_1135] {strides = array<i32>} : memref<15x128xf32, #tpu.memory_space<vmem>>, vector<1x16xf32>,
      %swap3A_1137 = vector.shape_cast %swap3A_1136 : vector<1x16xf32> to vector<16xf32>
      %swap3A_1138 = vector.shape_cast %get3A_1132 : vector<16xf32> to vector<1x16xf32>
      tpu.vector_store %arg12[%swap3A_1134, %swap3A_1135], %swap3A_1138 {strides = array<i32>} : memref<15x128xf32, #tpu.memory_space<vmem>>, vector<1x16xf32>,
      %get3A_1139 = arith.constant 160 : index
      %get3A_1140 = tpu.vector_load %arg10[%get3A_1139] {strides = array<i32>} : memref<320xf32, #tpu.memory_space<vmem>>, vector<16xf32>,
      %get3A_1141 = vector.shape_cast %get3A_1140 : vector<16xf32> to vector<16xf32>
      %swap3A_1142 = arith.constant 6 : i32
      %swap3A_1143 = arith.index_cast %swap3A_1142 : i32 to index
      %swap3A_1144 = arith.constant 32 : index
      %swap3A_1145 = tpu.vector_load %arg12[%swap3A_1143, %swap3A_1144] {strides = array<i32>} : memref<15x128xf32, #tpu.memory_space<vmem>>, vector<1x16xf32>,
      %swap3A_1146 = vector.shape_cast %swap3A_1145 : vector<1x16xf32> to vector<16xf32>
      %swap3A_1147 = vector.shape_cast %get3A_1141 : vector<16xf32> to vector<1x16xf32>
      tpu.vector_store %arg12[%swap3A_1143, %swap3A_1144], %swap3A_1147 {strides = array<i32>} : memref<15x128xf32, #tpu.memory_space<vmem>>, vector<1x16xf32>,
      %get3A_1148 = arith.constant 176 : index
      %get3A_1149 = tpu.vector_load %arg10[%get3A_1148] {strides = array<i32>} : memref<320xf32, #tpu.memory_space<vmem>>, vector<16xf32>,
      %get3A_1150 = vector.shape_cast %get3A_1149 : vector<16xf32> to vector<16xf32>
      %swap3A_1151 = arith.constant 6 : i32
      %swap3A_1152 = arith.index_cast %swap3A_1151 : i32 to index
      %swap3A_1153 = arith.constant 48 : index
      %swap3A_1154 = tpu.vector_load %arg12[%swap3A_1152, %swap3A_1153] {strides = array<i32>} : memref<15x128xf32, #tpu.memory_space<vmem>>, vector<1x16xf32>,
      %swap3A_1155 = vector.shape_cast %swap3A_1154 : vector<1x16xf32> to vector<16xf32>
      %swap3A_1156 = vector.shape_cast %get3A_1150 : vector<16xf32> to vector<1x16xf32>
      tpu.vector_store %arg12[%swap3A_1152, %swap3A_1153], %swap3A_1156 {strides = array<i32>} : memref<15x128xf32, #tpu.memory_space<vmem>>, vector<1x16xf32>,
      %get3A_1157 = arith.constant 0 : index
      %get3A_1158 = tpu.vector_load %arg11[%get3A_1157] {strides = array<i32>} : memref<192xf32, #tpu.memory_space<vmem>>, vector<16xf32>,
      %get3A_1159 = vector.shape_cast %get3A_1158 : vector<16xf32> to vector<16xf32>
      %swap3A_1160 = arith.constant 6 : i32
      %swap3A_1161 = arith.index_cast %swap3A_1160 : i32 to index
      %swap3A_1162 = arith.constant 64 : index
      %swap3A_1163 = tpu.vector_load %arg12[%swap3A_1161, %swap3A_1162] {strides = array<i32>} : memref<15x128xf32, #tpu.memory_space<vmem>>, vector<1x16xf32>,
      %swap3A_1164 = vector.shape_cast %swap3A_1163 : vector<1x16xf32> to vector<16xf32>
      %swap3A_1165 = vector.shape_cast %get3A_1159 : vector<16xf32> to vector<1x16xf32>
      tpu.vector_store %arg12[%swap3A_1161, %swap3A_1162], %swap3A_1165 {strides = array<i32>} : memref<15x128xf32, #tpu.memory_space<vmem>>, vector<1x16xf32>,
      %get3A_1166 = arith.constant 16 : index
      %get3A_1167 = tpu.vector_load %arg11[%get3A_1166] {strides = array<i32>} : memref<192xf32, #tpu.memory_space<vmem>>, vector<16xf32>,
      %get3A_1168 = vector.shape_cast %get3A_1167 : vector<16xf32> to vector<16xf32>
      %swap3A_1169 = arith.constant 6 : i32
      %swap3A_1170 = arith.index_cast %swap3A_1169 : i32 to index
      %swap3A_1171 = arith.constant 80 : index
      %swap3A_1172 = tpu.vector_load %arg12[%swap3A_1170, %swap3A_1171] {strides = array<i32>} : memref<15x128xf32, #tpu.memory_space<vmem>>, vector<1x16xf32>,
      %swap3A_1173 = vector.shape_cast %swap3A_1172 : vector<1x16xf32> to vector<16xf32>
      %swap3A_1174 = vector.shape_cast %get3A_1168 : vector<16xf32> to vector<1x16xf32>
      tpu.vector_store %arg12[%swap3A_1170, %swap3A_1171], %swap3A_1174 {strides = array<i32>} : memref<15x128xf32, #tpu.memory_space<vmem>>, vector<1x16xf32>,
      %get3A_1175 = arith.constant 32 : index
      %get3A_1176 = tpu.vector_load %arg11[%get3A_1175] {strides = array<i32>} : memref<192xf32, #tpu.memory_space<vmem>>, vector<16xf32>,
      %get3A_1177 = vector.shape_cast %get3A_1176 : vector<16xf32> to vector<16xf32>
      %swap3A_1178 = arith.constant 6 : i32
      %swap3A_1179 = arith.index_cast %swap3A_1178 : i32 to index
      %swap3A_1180 = arith.constant 96 : index
      %swap3A_1181 = tpu.vector_load %arg12[%swap3A_1179, %swap3A_1180] {strides = array<i32>} : memref<15x128xf32, #tpu.memory_space<vmem>>, vector<1x16xf32>,
      %swap3A_1182 = vector.shape_cast %swap3A_1181 : vector<1x16xf32> to vector<16xf32>
      %swap3A_1183 = vector.shape_cast %get3A_1177 : vector<16xf32> to vector<1x16xf32>
      tpu.vector_store %arg12[%swap3A_1179, %swap3A_1180], %swap3A_1183 {strides = array<i32>} : memref<15x128xf32, #tpu.memory_space<vmem>>, vector<1x16xf32>,
      %get3A_1184 = arith.constant 48 : index
      %get3A_1185 = tpu.vector_load %arg11[%get3A_1184] {strides = array<i32>} : memref<192xf32, #tpu.memory_space<vmem>>, vector<16xf32>,
      %get3A_1186 = vector.shape_cast %get3A_1185 : vector<16xf32> to vector<16xf32>
      %swap3A_1187 = arith.constant 6 : i32
      %swap3A_1188 = arith.index_cast %swap3A_1187 : i32 to index
      %swap3A_1189 = arith.constant 112 : index
      %swap3A_1190 = tpu.vector_load %arg12[%swap3A_1188, %swap3A_1189] {strides = array<i32>} : memref<15x128xf32, #tpu.memory_space<vmem>>, vector<1x16xf32>,
      %swap3A_1191 = vector.shape_cast %swap3A_1190 : vector<1x16xf32> to vector<16xf32>
      %swap3A_1192 = vector.shape_cast %get3A_1186 : vector<16xf32> to vector<1x16xf32>
      tpu.vector_store %arg12[%swap3A_1188, %swap3A_1189], %swap3A_1192 {strides = array<i32>} : memref<15x128xf32, #tpu.memory_space<vmem>>, vector<1x16xf32>,
      %get3A_1193 = arith.constant 128 : index
      %get3A_1194 = tpu.vector_load %arg10[%get3A_1193] {strides = array<i32>} : memref<320xf32, #tpu.memory_space<vmem>>, vector<16xf32>,
      %get3A_1195 = vector.shape_cast %get3A_1194 : vector<16xf32> to vector<16xf32>
      %swap3A_1196 = arith.constant 7 : i32
      %swap3A_1197 = arith.index_cast %swap3A_1196 : i32 to index
      %swap3A_1198 = arith.constant 0 : index
      %swap3A_1199 = tpu.vector_load %arg12[%swap3A_1197, %swap3A_1198] {strides = array<i32>} : memref<15x128xf32, #tpu.memory_space<vmem>>, vector<1x16xf32>,
      %swap3A_1200 = vector.shape_cast %swap3A_1199 : vector<1x16xf32> to vector<16xf32>
      %swap3A_1201 = vector.shape_cast %get3A_1195 : vector<16xf32> to vector<1x16xf32>
      tpu.vector_store %arg12[%swap3A_1197, %swap3A_1198], %swap3A_1201 {strides = array<i32>} : memref<15x128xf32, #tpu.memory_space<vmem>>, vector<1x16xf32>,
      %get3A_1202 = arith.constant 144 : index
      %get3A_1203 = tpu.vector_load %arg10[%get3A_1202] {strides = array<i32>} : memref<320xf32, #tpu.memory_space<vmem>>, vector<16xf32>,
      %get3A_1204 = vector.shape_cast %get3A_1203 : vector<16xf32> to vector<16xf32>
      %swap3A_1205 = arith.constant 7 : i32
      %swap3A_1206 = arith.index_cast %swap3A_1205 : i32 to index
      %swap3A_1207 = arith.constant 16 : index
      %swap3A_1208 = tpu.vector_load %arg12[%swap3A_1206, %swap3A_1207] {strides = array<i32>} : memref<15x128xf32, #tpu.memory_space<vmem>>, vector<1x16xf32>,
      %swap3A_1209 = vector.shape_cast %swap3A_1208 : vector<1x16xf32> to vector<16xf32>
      %swap3A_1210 = vector.shape_cast %get3A_1204 : vector<16xf32> to vector<1x16xf32>
      tpu.vector_store %arg12[%swap3A_1206, %swap3A_1207], %swap3A_1210 {strides = array<i32>} : memref<15x128xf32, #tpu.memory_space<vmem>>, vector<1x16xf32>,
      %get3A_1211 = arith.constant 160 : index
      %get3A_1212 = tpu.vector_load %arg10[%get3A_1211] {strides = array<i32>} : memref<320xf32, #tpu.memory_space<vmem>>, vector<16xf32>,
      %get3A_1213 = vector.shape_cast %get3A_1212 : vector<16xf32> to vector<16xf32>
      %swap3A_1214 = arith.constant 7 : i32
      %swap3A_1215 = arith.index_cast %swap3A_1214 : i32 to index
      %swap3A_1216 = arith.constant 32 : index
      %swap3A_1217 = tpu.vector_load %arg12[%swap3A_1215, %swap3A_1216] {strides = array<i32>} : memref<15x128xf32, #tpu.memory_space<vmem>>, vector<1x16xf32>,
      %swap3A_1218 = vector.shape_cast %swap3A_1217 : vector<1x16xf32> to vector<16xf32>
      %swap3A_1219 = vector.shape_cast %get3A_1213 : vector<16xf32> to vector<1x16xf32>
      tpu.vector_store %arg12[%swap3A_1215, %swap3A_1216], %swap3A_1219 {strides = array<i32>} : memref<15x128xf32, #tpu.memory_space<vmem>>, vector<1x16xf32>,
      %get3A_1220 = arith.constant 176 : index
      %get3A_1221 = tpu.vector_load %arg10[%get3A_1220] {strides = array<i32>} : memref<320xf32, #tpu.memory_space<vmem>>, vector<16xf32>,
      %get3A_1222 = vector.shape_cast %get3A_1221 : vector<16xf32> to vector<16xf32>
      %swap3A_1223 = arith.constant 7 : i32
      %swap3A_1224 = arith.index_cast %swap3A_1223 : i32 to index
      %swap3A_1225 = arith.constant 48 : index
      %swap3A_1226 = tpu.vector_load %arg12[%swap3A_1224, %swap3A_1225] {strides = array<i32>} : memref<15x128xf32, #tpu.memory_space<vmem>>, vector<1x16xf32>,
      %swap3A_1227 = vector.shape_cast %swap3A_1226 : vector<1x16xf32> to vector<16xf32>
      %swap3A_1228 = vector.shape_cast %get3A_1222 : vector<16xf32> to vector<1x16xf32>
      tpu.vector_store %arg12[%swap3A_1224, %swap3A_1225], %swap3A_1228 {strides = array<i32>} : memref<15x128xf32, #tpu.memory_space<vmem>>, vector<1x16xf32>,
      %get3A_1229 = arith.constant 64 : index
      %get3A_1230 = tpu.vector_load %arg11[%get3A_1229] {strides = array<i32>} : memref<192xf32, #tpu.memory_space<vmem>>, vector<16xf32>,
      %get3A_1231 = vector.shape_cast %get3A_1230 : vector<16xf32> to vector<16xf32>
      %swap3A_1232 = arith.constant 7 : i32
      %swap3A_1233 = arith.index_cast %swap3A_1232 : i32 to index
      %swap3A_1234 = arith.constant 64 : index
      %swap3A_1235 = tpu.vector_load %arg12[%swap3A_1233, %swap3A_1234] {strides = array<i32>} : memref<15x128xf32, #tpu.memory_space<vmem>>, vector<1x16xf32>,
      %swap3A_1236 = vector.shape_cast %swap3A_1235 : vector<1x16xf32> to vector<16xf32>
      %swap3A_1237 = vector.shape_cast %get3A_1231 : vector<16xf32> to vector<1x16xf32>
      tpu.vector_store %arg12[%swap3A_1233, %swap3A_1234], %swap3A_1237 {strides = array<i32>} : memref<15x128xf32, #tpu.memory_space<vmem>>, vector<1x16xf32>,
      %get3A_1238 = arith.constant 80 : index
      %get3A_1239 = tpu.vector_load %arg11[%get3A_1238] {strides = array<i32>} : memref<192xf32, #tpu.memory_space<vmem>>, vector<16xf32>,
      %get3A_1240 = vector.shape_cast %get3A_1239 : vector<16xf32> to vector<16xf32>
      %swap3A_1241 = arith.constant 7 : i32
      %swap3A_1242 = arith.index_cast %swap3A_1241 : i32 to index
      %swap3A_1243 = arith.constant 80 : index
      %swap3A_1244 = tpu.vector_load %arg12[%swap3A_1242, %swap3A_1243] {strides = array<i32>} : memref<15x128xf32, #tpu.memory_space<vmem>>, vector<1x16xf32>,
      %swap3A_1245 = vector.shape_cast %swap3A_1244 : vector<1x16xf32> to vector<16xf32>
      %swap3A_1246 = vector.shape_cast %get3A_1240 : vector<16xf32> to vector<1x16xf32>
      tpu.vector_store %arg12[%swap3A_1242, %swap3A_1243], %swap3A_1246 {strides = array<i32>} : memref<15x128xf32, #tpu.memory_space<vmem>>, vector<1x16xf32>,
      %get3A_1247 = arith.constant 96 : index
      %get3A_1248 = tpu.vector_load %arg11[%get3A_1247] {strides = array<i32>} : memref<192xf32, #tpu.memory_space<vmem>>, vector<16xf32>,
      %get3A_1249 = vector.shape_cast %get3A_1248 : vector<16xf32> to vector<16xf32>
      %swap3A_1250 = arith.constant 7 : i32
      %swap3A_1251 = arith.index_cast %swap3A_1250 : i32 to index
      %swap3A_1252 = arith.constant 96 : index
      %swap3A_1253 = tpu.vector_load %arg12[%swap3A_1251, %swap3A_1252] {strides = array<i32>} : memref<15x128xf32, #tpu.memory_space<vmem>>, vector<1x16xf32>,
      %swap3A_1254 = vector.shape_cast %swap3A_1253 : vector<1x16xf32> to vector<16xf32>
      %swap3A_1255 = vector.shape_cast %get3A_1249 : vector<16xf32> to vector<1x16xf32>
      tpu.vector_store %arg12[%swap3A_1251, %swap3A_1252], %swap3A_1255 {strides = array<i32>} : memref<15x128xf32, #tpu.memory_space<vmem>>, vector<1x16xf32>,
      %get3A_1256 = arith.constant 112 : index
      %get3A_1257 = tpu.vector_load %arg11[%get3A_1256] {strides = array<i32>} : memref<192xf32, #tpu.memory_space<vmem>>, vector<16xf32>,
      %get3A_1258 = vector.shape_cast %get3A_1257 : vector<16xf32> to vector<16xf32>
      %swap3A_1259 = arith.constant 7 : i32
      %swap3A_1260 = arith.index_cast %swap3A_1259 : i32 to index
      %swap3A_1261 = arith.constant 112 : index
      %swap3A_1262 = tpu.vector_load %arg12[%swap3A_1260, %swap3A_1261] {strides = array<i32>} : memref<15x128xf32, #tpu.memory_space<vmem>>, vector<1x16xf32>,
      %swap3A_1263 = vector.shape_cast %swap3A_1262 : vector<1x16xf32> to vector<16xf32>
      %swap3A_1264 = vector.shape_cast %get3A_1258 : vector<16xf32> to vector<1x16xf32>
      tpu.vector_store %arg12[%swap3A_1260, %swap3A_1261], %swap3A_1264 {strides = array<i32>} : memref<15x128xf32, #tpu.memory_space<vmem>>, vector<1x16xf32>,
      %get3A_1265 = arith.constant 128 : index
      %get3A_1266 = tpu.vector_load %arg10[%get3A_1265] {strides = array<i32>} : memref<320xf32, #tpu.memory_space<vmem>>, vector<16xf32>,
      %get3A_1267 = vector.shape_cast %get3A_1266 : vector<16xf32> to vector<16xf32>
      %swap3A_1268 = arith.constant 8 : i32
      %swap3A_1269 = arith.index_cast %swap3A_1268 : i32 to index
      %swap3A_1270 = arith.constant 0 : index
      %swap3A_1271 = tpu.vector_load %arg12[%swap3A_1269, %swap3A_1270] {strides = array<i32>} : memref<15x128xf32, #tpu.memory_space<vmem>>, vector<1x16xf32>,
      %swap3A_1272 = vector.shape_cast %swap3A_1271 : vector<1x16xf32> to vector<16xf32>
      %swap3A_1273 = vector.shape_cast %get3A_1267 : vector<16xf32> to vector<1x16xf32>
      tpu.vector_store %arg12[%swap3A_1269, %swap3A_1270], %swap3A_1273 {strides = array<i32>} : memref<15x128xf32, #tpu.memory_space<vmem>>, vector<1x16xf32>,
      %get3A_1274 = arith.constant 144 : index
      %get3A_1275 = tpu.vector_load %arg10[%get3A_1274] {strides = array<i32>} : memref<320xf32, #tpu.memory_space<vmem>>, vector<16xf32>,
      %get3A_1276 = vector.shape_cast %get3A_1275 : vector<16xf32> to vector<16xf32>
      %swap3A_1277 = arith.constant 8 : i32
      %swap3A_1278 = arith.index_cast %swap3A_1277 : i32 to index
      %swap3A_1279 = arith.constant 16 : index
      %swap3A_1280 = tpu.vector_load %arg12[%swap3A_1278, %swap3A_1279] {strides = array<i32>} : memref<15x128xf32, #tpu.memory_space<vmem>>, vector<1x16xf32>,
      %swap3A_1281 = vector.shape_cast %swap3A_1280 : vector<1x16xf32> to vector<16xf32>
      %swap3A_1282 = vector.shape_cast %get3A_1276 : vector<16xf32> to vector<1x16xf32>
      tpu.vector_store %arg12[%swap3A_1278, %swap3A_1279], %swap3A_1282 {strides = array<i32>} : memref<15x128xf32, #tpu.memory_space<vmem>>, vector<1x16xf32>,
      %get3A_1283 = arith.constant 160 : index
      %get3A_1284 = tpu.vector_load %arg10[%get3A_1283] {strides = array<i32>} : memref<320xf32, #tpu.memory_space<vmem>>, vector<16xf32>,
      %get3A_1285 = vector.shape_cast %get3A_1284 : vector<16xf32> to vector<16xf32>
      %swap3A_1286 = arith.constant 8 : i32
      %swap3A_1287 = arith.index_cast %swap3A_1286 : i32 to index
      %swap3A_1288 = arith.constant 32 : index
      %swap3A_1289 = tpu.vector_load %arg12[%swap3A_1287, %swap3A_1288] {strides = array<i32>} : memref<15x128xf32, #tpu.memory_space<vmem>>, vector<1x16xf32>,
      %swap3A_1290 = vector.shape_cast %swap3A_1289 : vector<1x16xf32> to vector<16xf32>
      %swap3A_1291 = vector.shape_cast %get3A_1285 : vector<16xf32> to vector<1x16xf32>
      tpu.vector_store %arg12[%swap3A_1287, %swap3A_1288], %swap3A_1291 {strides = array<i32>} : memref<15x128xf32, #tpu.memory_space<vmem>>, vector<1x16xf32>,
      %get3A_1292 = arith.constant 176 : index
      %get3A_1293 = tpu.vector_load %arg10[%get3A_1292] {strides = array<i32>} : memref<320xf32, #tpu.memory_space<vmem>>, vector<16xf32>,
      %get3A_1294 = vector.shape_cast %get3A_1293 : vector<16xf32> to vector<16xf32>
      %swap3A_1295 = arith.constant 8 : i32
      %swap3A_1296 = arith.index_cast %swap3A_1295 : i32 to index
      %swap3A_1297 = arith.constant 48 : index
      %swap3A_1298 = tpu.vector_load %arg12[%swap3A_1296, %swap3A_1297] {strides = array<i32>} : memref<15x128xf32, #tpu.memory_space<vmem>>, vector<1x16xf32>,
      %swap3A_1299 = vector.shape_cast %swap3A_1298 : vector<1x16xf32> to vector<16xf32>
      %swap3A_1300 = vector.shape_cast %get3A_1294 : vector<16xf32> to vector<1x16xf32>
      tpu.vector_store %arg12[%swap3A_1296, %swap3A_1297], %swap3A_1300 {strides = array<i32>} : memref<15x128xf32, #tpu.memory_space<vmem>>, vector<1x16xf32>,
      %get3A_1301 = arith.constant 128 : index
      %get3A_1302 = tpu.vector_load %arg11[%get3A_1301] {strides = array<i32>} : memref<192xf32, #tpu.memory_space<vmem>>, vector<16xf32>,
      %get3A_1303 = vector.shape_cast %get3A_1302 : vector<16xf32> to vector<16xf32>
      %swap3A_1304 = arith.constant 8 : i32
      %swap3A_1305 = arith.index_cast %swap3A_1304 : i32 to index
      %swap3A_1306 = arith.constant 64 : index
      %swap3A_1307 = tpu.vector_load %arg12[%swap3A_1305, %swap3A_1306] {strides = array<i32>} : memref<15x128xf32, #tpu.memory_space<vmem>>, vector<1x16xf32>,
      %swap3A_1308 = vector.shape_cast %swap3A_1307 : vector<1x16xf32> to vector<16xf32>
      %swap3A_1309 = vector.shape_cast %get3A_1303 : vector<16xf32> to vector<1x16xf32>
      tpu.vector_store %arg12[%swap3A_1305, %swap3A_1306], %swap3A_1309 {strides = array<i32>} : memref<15x128xf32, #tpu.memory_space<vmem>>, vector<1x16xf32>,
      %get3A_1310 = arith.constant 144 : index
      %get3A_1311 = tpu.vector_load %arg11[%get3A_1310] {strides = array<i32>} : memref<192xf32, #tpu.memory_space<vmem>>, vector<16xf32>,
      %get3A_1312 = vector.shape_cast %get3A_1311 : vector<16xf32> to vector<16xf32>
      %swap3A_1313 = arith.constant 8 : i32
      %swap3A_1314 = arith.index_cast %swap3A_1313 : i32 to index
      %swap3A_1315 = arith.constant 80 : index
      %swap3A_1316 = tpu.vector_load %arg12[%swap3A_1314, %swap3A_1315] {strides = array<i32>} : memref<15x128xf32, #tpu.memory_space<vmem>>, vector<1x16xf32>,
      %swap3A_1317 = vector.shape_cast %swap3A_1316 : vector<1x16xf32> to vector<16xf32>
      %swap3A_1318 = vector.shape_cast %get3A_1312 : vector<16xf32> to vector<1x16xf32>
      tpu.vector_store %arg12[%swap3A_1314, %swap3A_1315], %swap3A_1318 {strides = array<i32>} : memref<15x128xf32, #tpu.memory_space<vmem>>, vector<1x16xf32>,
      %get3A_1319 = arith.constant 160 : index
      %get3A_1320 = tpu.vector_load %arg11[%get3A_1319] {strides = array<i32>} : memref<192xf32, #tpu.memory_space<vmem>>, vector<16xf32>,
      %get3A_1321 = vector.shape_cast %get3A_1320 : vector<16xf32> to vector<16xf32>
      %swap3A_1322 = arith.constant 8 : i32
      %swap3A_1323 = arith.index_cast %swap3A_1322 : i32 to index
      %swap3A_1324 = arith.constant 96 : index
      %swap3A_1325 = tpu.vector_load %arg12[%swap3A_1323, %swap3A_1324] {strides = array<i32>} : memref<15x128xf32, #tpu.memory_space<vmem>>, vector<1x16xf32>,
      %swap3A_1326 = vector.shape_cast %swap3A_1325 : vector<1x16xf32> to vector<16xf32>
      %swap3A_1327 = vector.shape_cast %get3A_1321 : vector<16xf32> to vector<1x16xf32>
      tpu.vector_store %arg12[%swap3A_1323, %swap3A_1324], %swap3A_1327 {strides = array<i32>} : memref<15x128xf32, #tpu.memory_space<vmem>>, vector<1x16xf32>,
      %get3A_1328 = arith.constant 176 : index
      %get3A_1329 = tpu.vector_load %arg11[%get3A_1328] {strides = array<i32>} : memref<192xf32, #tpu.memory_space<vmem>>, vector<16xf32>,
      %get3A_1330 = vector.shape_cast %get3A_1329 : vector<16xf32> to vector<16xf32>
      %swap3A_1331 = arith.constant 8 : i32
      %swap3A_1332 = arith.index_cast %swap3A_1331 : i32 to index
      %swap3A_1333 = arith.constant 112 : index
      %swap3A_1334 = tpu.vector_load %arg12[%swap3A_1332, %swap3A_1333] {strides = array<i32>} : memref<15x128xf32, #tpu.memory_space<vmem>>, vector<1x16xf32>,
      %swap3A_1335 = vector.shape_cast %swap3A_1334 : vector<1x16xf32> to vector<16xf32>
      %swap3A_1336 = vector.shape_cast %get3A_1330 : vector<16xf32> to vector<1x16xf32>
      tpu.vector_store %arg12[%swap3A_1332, %swap3A_1333], %swap3A_1336 {strides = array<i32>} : memref<15x128xf32, #tpu.memory_space<vmem>>, vector<1x16xf32>,
      %get3A_1337 = arith.constant 192 : index
      %get3A_1338 = tpu.vector_load %arg10[%get3A_1337] {strides = array<i32>} : memref<320xf32, #tpu.memory_space<vmem>>, vector<16xf32>,
      %get3A_1339 = vector.shape_cast %get3A_1338 : vector<16xf32> to vector<16xf32>
      %swap3A_1340 = arith.constant 9 : i32
      %swap3A_1341 = arith.index_cast %swap3A_1340 : i32 to index
      %swap3A_1342 = arith.constant 0 : index
      %swap3A_1343 = tpu.vector_load %arg12[%swap3A_1341, %swap3A_1342] {strides = array<i32>} : memref<15x128xf32, #tpu.memory_space<vmem>>, vector<1x16xf32>,
      %swap3A_1344 = vector.shape_cast %swap3A_1343 : vector<1x16xf32> to vector<16xf32>
      %swap3A_1345 = vector.shape_cast %get3A_1339 : vector<16xf32> to vector<1x16xf32>
      tpu.vector_store %arg12[%swap3A_1341, %swap3A_1342], %swap3A_1345 {strides = array<i32>} : memref<15x128xf32, #tpu.memory_space<vmem>>, vector<1x16xf32>,
      %get3A_1346 = arith.constant 208 : index
      %get3A_1347 = tpu.vector_load %arg10[%get3A_1346] {strides = array<i32>} : memref<320xf32, #tpu.memory_space<vmem>>, vector<16xf32>,
      %get3A_1348 = vector.shape_cast %get3A_1347 : vector<16xf32> to vector<16xf32>
      %swap3A_1349 = arith.constant 9 : i32
      %swap3A_1350 = arith.index_cast %swap3A_1349 : i32 to index
      %swap3A_1351 = arith.constant 16 : index
      %swap3A_1352 = tpu.vector_load %arg12[%swap3A_1350, %swap3A_1351] {strides = array<i32>} : memref<15x128xf32, #tpu.memory_space<vmem>>, vector<1x16xf32>,
      %swap3A_1353 = vector.shape_cast %swap3A_1352 : vector<1x16xf32> to vector<16xf32>
      %swap3A_1354 = vector.shape_cast %get3A_1348 : vector<16xf32> to vector<1x16xf32>
      tpu.vector_store %arg12[%swap3A_1350, %swap3A_1351], %swap3A_1354 {strides = array<i32>} : memref<15x128xf32, #tpu.memory_space<vmem>>, vector<1x16xf32>,
      %get3A_1355 = arith.constant 224 : index
      %get3A_1356 = tpu.vector_load %arg10[%get3A_1355] {strides = array<i32>} : memref<320xf32, #tpu.memory_space<vmem>>, vector<16xf32>,
      %get3A_1357 = vector.shape_cast %get3A_1356 : vector<16xf32> to vector<16xf32>
      %swap3A_1358 = arith.constant 9 : i32
      %swap3A_1359 = arith.index_cast %swap3A_1358 : i32 to index
      %swap3A_1360 = arith.constant 32 : index
      %swap3A_1361 = tpu.vector_load %arg12[%swap3A_1359, %swap3A_1360] {strides = array<i32>} : memref<15x128xf32, #tpu.memory_space<vmem>>, vector<1x16xf32>,
      %swap3A_1362 = vector.shape_cast %swap3A_1361 : vector<1x16xf32> to vector<16xf32>
      %swap3A_1363 = vector.shape_cast %get3A_1357 : vector<16xf32> to vector<1x16xf32>
      tpu.vector_store %arg12[%swap3A_1359, %swap3A_1360], %swap3A_1363 {strides = array<i32>} : memref<15x128xf32, #tpu.memory_space<vmem>>, vector<1x16xf32>,
      %get3A_1364 = arith.constant 240 : index
      %get3A_1365 = tpu.vector_load %arg10[%get3A_1364] {strides = array<i32>} : memref<320xf32, #tpu.memory_space<vmem>>, vector<16xf32>,
      %get3A_1366 = vector.shape_cast %get3A_1365 : vector<16xf32> to vector<16xf32>
      %swap3A_1367 = arith.constant 9 : i32
      %swap3A_1368 = arith.index_cast %swap3A_1367 : i32 to index
      %swap3A_1369 = arith.constant 48 : index
      %swap3A_1370 = tpu.vector_load %arg12[%swap3A_1368, %swap3A_1369] {strides = array<i32>} : memref<15x128xf32, #tpu.memory_space<vmem>>, vector<1x16xf32>,
      %swap3A_1371 = vector.shape_cast %swap3A_1370 : vector<1x16xf32> to vector<16xf32>
      %swap3A_1372 = vector.shape_cast %get3A_1366 : vector<16xf32> to vector<1x16xf32>
      tpu.vector_store %arg12[%swap3A_1368, %swap3A_1369], %swap3A_1372 {strides = array<i32>} : memref<15x128xf32, #tpu.memory_space<vmem>>, vector<1x16xf32>,
      %get3A_1373 = arith.constant 0 : index
      %get3A_1374 = tpu.vector_load %arg11[%get3A_1373] {strides = array<i32>} : memref<192xf32, #tpu.memory_space<vmem>>, vector<16xf32>,
      %get3A_1375 = vector.shape_cast %get3A_1374 : vector<16xf32> to vector<16xf32>
      %swap3A_1376 = arith.constant 9 : i32
      %swap3A_1377 = arith.index_cast %swap3A_1376 : i32 to index
      %swap3A_1378 = arith.constant 64 : index
      %swap3A_1379 = tpu.vector_load %arg12[%swap3A_1377, %swap3A_1378] {strides = array<i32>} : memref<15x128xf32, #tpu.memory_space<vmem>>, vector<1x16xf32>,
      %swap3A_1380 = vector.shape_cast %swap3A_1379 : vector<1x16xf32> to vector<16xf32>
      %swap3A_1381 = vector.shape_cast %get3A_1375 : vector<16xf32> to vector<1x16xf32>
      tpu.vector_store %arg12[%swap3A_1377, %swap3A_1378], %swap3A_1381 {strides = array<i32>} : memref<15x128xf32, #tpu.memory_space<vmem>>, vector<1x16xf32>,
      %get3A_1382 = arith.constant 16 : index
      %get3A_1383 = tpu.vector_load %arg11[%get3A_1382] {strides = array<i32>} : memref<192xf32, #tpu.memory_space<vmem>>, vector<16xf32>,
      %get3A_1384 = vector.shape_cast %get3A_1383 : vector<16xf32> to vector<16xf32>
      %swap3A_1385 = arith.constant 9 : i32
      %swap3A_1386 = arith.index_cast %swap3A_1385 : i32 to index
      %swap3A_1387 = arith.constant 80 : index
      %swap3A_1388 = tpu.vector_load %arg12[%swap3A_1386, %swap3A_1387] {strides = array<i32>} : memref<15x128xf32, #tpu.memory_space<vmem>>, vector<1x16xf32>,
      %swap3A_1389 = vector.shape_cast %swap3A_1388 : vector<1x16xf32> to vector<16xf32>
      %swap3A_1390 = vector.shape_cast %get3A_1384 : vector<16xf32> to vector<1x16xf32>
      tpu.vector_store %arg12[%swap3A_1386, %swap3A_1387], %swap3A_1390 {strides = array<i32>} : memref<15x128xf32, #tpu.memory_space<vmem>>, vector<1x16xf32>,
      %get3A_1391 = arith.constant 32 : index
      %get3A_1392 = tpu.vector_load %arg11[%get3A_1391] {strides = array<i32>} : memref<192xf32, #tpu.memory_space<vmem>>, vector<16xf32>,
      %get3A_1393 = vector.shape_cast %get3A_1392 : vector<16xf32> to vector<16xf32>
      %swap3A_1394 = arith.constant 9 : i32
      %swap3A_1395 = arith.index_cast %swap3A_1394 : i32 to index
      %swap3A_1396 = arith.constant 96 : index
      %swap3A_1397 = tpu.vector_load %arg12[%swap3A_1395, %swap3A_1396] {strides = array<i32>} : memref<15x128xf32, #tpu.memory_space<vmem>>, vector<1x16xf32>,
      %swap3A_1398 = vector.shape_cast %swap3A_1397 : vector<1x16xf32> to vector<16xf32>
      %swap3A_1399 = vector.shape_cast %get3A_1393 : vector<16xf32> to vector<1x16xf32>
      tpu.vector_store %arg12[%swap3A_1395, %swap3A_1396], %swap3A_1399 {strides = array<i32>} : memref<15x128xf32, #tpu.memory_space<vmem>>, vector<1x16xf32>,
      %get3A_1400 = arith.constant 48 : index
      %get3A_1401 = tpu.vector_load %arg11[%get3A_1400] {strides = array<i32>} : memref<192xf32, #tpu.memory_space<vmem>>, vector<16xf32>,
      %get3A_1402 = vector.shape_cast %get3A_1401 : vector<16xf32> to vector<16xf32>
      %swap3A_1403 = arith.constant 9 : i32
      %swap3A_1404 = arith.index_cast %swap3A_1403 : i32 to index
      %swap3A_1405 = arith.constant 112 : index
      %swap3A_1406 = tpu.vector_load %arg12[%swap3A_1404, %swap3A_1405] {strides = array<i32>} : memref<15x128xf32, #tpu.memory_space<vmem>>, vector<1x16xf32>,
      %swap3A_1407 = vector.shape_cast %swap3A_1406 : vector<1x16xf32> to vector<16xf32>
      %swap3A_1408 = vector.shape_cast %get3A_1402 : vector<16xf32> to vector<1x16xf32>
      tpu.vector_store %arg12[%swap3A_1404, %swap3A_1405], %swap3A_1408 {strides = array<i32>} : memref<15x128xf32, #tpu.memory_space<vmem>>, vector<1x16xf32>,
      %get3A_1409 = arith.constant 192 : index
      %get3A_1410 = tpu.vector_load %arg10[%get3A_1409] {strides = array<i32>} : memref<320xf32, #tpu.memory_space<vmem>>, vector<16xf32>,
      %get3A_1411 = vector.shape_cast %get3A_1410 : vector<16xf32> to vector<16xf32>
      %swap3A_1412 = arith.constant 10 : i32
      %swap3A_1413 = arith.index_cast %swap3A_1412 : i32 to index
      %swap3A_1414 = arith.constant 0 : index
      %swap3A_1415 = tpu.vector_load %arg12[%swap3A_1413, %swap3A_1414] {strides = array<i32>} : memref<15x128xf32, #tpu.memory_space<vmem>>, vector<1x16xf32>,
      %swap3A_1416 = vector.shape_cast %swap3A_1415 : vector<1x16xf32> to vector<16xf32>
      %swap3A_1417 = vector.shape_cast %get3A_1411 : vector<16xf32> to vector<1x16xf32>
      tpu.vector_store %arg12[%swap3A_1413, %swap3A_1414], %swap3A_1417 {strides = array<i32>} : memref<15x128xf32, #tpu.memory_space<vmem>>, vector<1x16xf32>,
      %get3A_1418 = arith.constant 208 : index
      %get3A_1419 = tpu.vector_load %arg10[%get3A_1418] {strides = array<i32>} : memref<320xf32, #tpu.memory_space<vmem>>, vector<16xf32>,
      %get3A_1420 = vector.shape_cast %get3A_1419 : vector<16xf32> to vector<16xf32>
      %swap3A_1421 = arith.constant 10 : i32
      %swap3A_1422 = arith.index_cast %swap3A_1421 : i32 to index
      %swap3A_1423 = arith.constant 16 : index
      %swap3A_1424 = tpu.vector_load %arg12[%swap3A_1422, %swap3A_1423] {strides = array<i32>} : memref<15x128xf32, #tpu.memory_space<vmem>>, vector<1x16xf32>,
      %swap3A_1425 = vector.shape_cast %swap3A_1424 : vector<1x16xf32> to vector<16xf32>
      %swap3A_1426 = vector.shape_cast %get3A_1420 : vector<16xf32> to vector<1x16xf32>
      tpu.vector_store %arg12[%swap3A_1422, %swap3A_1423], %swap3A_1426 {strides = array<i32>} : memref<15x128xf32, #tpu.memory_space<vmem>>, vector<1x16xf32>,
      %get3A_1427 = arith.constant 224 : index
      %get3A_1428 = tpu.vector_load %arg10[%get3A_1427] {strides = array<i32>} : memref<320xf32, #tpu.memory_space<vmem>>, vector<16xf32>,
      %get3A_1429 = vector.shape_cast %get3A_1428 : vector<16xf32> to vector<16xf32>
      %swap3A_1430 = arith.constant 10 : i32
      %swap3A_1431 = arith.index_cast %swap3A_1430 : i32 to index
      %swap3A_1432 = arith.constant 32 : index
      %swap3A_1433 = tpu.vector_load %arg12[%swap3A_1431, %swap3A_1432] {strides = array<i32>} : memref<15x128xf32, #tpu.memory_space<vmem>>, vector<1x16xf32>,
      %swap3A_1434 = vector.shape_cast %swap3A_1433 : vector<1x16xf32> to vector<16xf32>
      %swap3A_1435 = vector.shape_cast %get3A_1429 : vector<16xf32> to vector<1x16xf32>
      tpu.vector_store %arg12[%swap3A_1431, %swap3A_1432], %swap3A_1435 {strides = array<i32>} : memref<15x128xf32, #tpu.memory_space<vmem>>, vector<1x16xf32>,
      %get3A_1436 = arith.constant 240 : index
      %get3A_1437 = tpu.vector_load %arg10[%get3A_1436] {strides = array<i32>} : memref<320xf32, #tpu.memory_space<vmem>>, vector<16xf32>,
      %get3A_1438 = vector.shape_cast %get3A_1437 : vector<16xf32> to vector<16xf32>
      %swap3A_1439 = arith.constant 10 : i32
      %swap3A_1440 = arith.index_cast %swap3A_1439 : i32 to index
      %swap3A_1441 = arith.constant 48 : index
      %swap3A_1442 = tpu.vector_load %arg12[%swap3A_1440, %swap3A_1441] {strides = array<i32>} : memref<15x128xf32, #tpu.memory_space<vmem>>, vector<1x16xf32>,
      %swap3A_1443 = vector.shape_cast %swap3A_1442 : vector<1x16xf32> to vector<16xf32>
      %swap3A_1444 = vector.shape_cast %get3A_1438 : vector<16xf32> to vector<1x16xf32>
      tpu.vector_store %arg12[%swap3A_1440, %swap3A_1441], %swap3A_1444 {strides = array<i32>} : memref<15x128xf32, #tpu.memory_space<vmem>>, vector<1x16xf32>,
      %get3A_1445 = arith.constant 64 : index
      %get3A_1446 = tpu.vector_load %arg11[%get3A_1445] {strides = array<i32>} : memref<192xf32, #tpu.memory_space<vmem>>, vector<16xf32>,
      %get3A_1447 = vector.shape_cast %get3A_1446 : vector<16xf32> to vector<16xf32>
      %swap3A_1448 = arith.constant 10 : i32
      %swap3A_1449 = arith.index_cast %swap3A_1448 : i32 to index
      %swap3A_1450 = arith.constant 64 : index
      %swap3A_1451 = tpu.vector_load %arg12[%swap3A_1449, %swap3A_1450] {strides = array<i32>} : memref<15x128xf32, #tpu.memory_space<vmem>>, vector<1x16xf32>,
      %swap3A_1452 = vector.shape_cast %swap3A_1451 : vector<1x16xf32> to vector<16xf32>
      %swap3A_1453 = vector.shape_cast %get3A_1447 : vector<16xf32> to vector<1x16xf32>
      tpu.vector_store %arg12[%swap3A_1449, %swap3A_1450], %swap3A_1453 {strides = array<i32>} : memref<15x128xf32, #tpu.memory_space<vmem>>, vector<1x16xf32>,
      %get3A_1454 = arith.constant 80 : index
      %get3A_1455 = tpu.vector_load %arg11[%get3A_1454] {strides = array<i32>} : memref<192xf32, #tpu.memory_space<vmem>>, vector<16xf32>,
      %get3A_1456 = vector.shape_cast %get3A_1455 : vector<16xf32> to vector<16xf32>
      %swap3A_1457 = arith.constant 10 : i32
      %swap3A_1458 = arith.index_cast %swap3A_1457 : i32 to index
      %swap3A_1459 = arith.constant 80 : index
      %swap3A_1460 = tpu.vector_load %arg12[%swap3A_1458, %swap3A_1459] {strides = array<i32>} : memref<15x128xf32, #tpu.memory_space<vmem>>, vector<1x16xf32>,
      %swap3A_1461 = vector.shape_cast %swap3A_1460 : vector<1x16xf32> to vector<16xf32>
      %swap3A_1462 = vector.shape_cast %get3A_1456 : vector<16xf32> to vector<1x16xf32>
      tpu.vector_store %arg12[%swap3A_1458, %swap3A_1459], %swap3A_1462 {strides = array<i32>} : memref<15x128xf32, #tpu.memory_space<vmem>>, vector<1x16xf32>,
      %get3A_1463 = arith.constant 96 : index
      %get3A_1464 = tpu.vector_load %arg11[%get3A_1463] {strides = array<i32>} : memref<192xf32, #tpu.memory_space<vmem>>, vector<16xf32>,
      %get3A_1465 = vector.shape_cast %get3A_1464 : vector<16xf32> to vector<16xf32>
      %swap3A_1466 = arith.constant 10 : i32
      %swap3A_1467 = arith.index_cast %swap3A_1466 : i32 to index
      %swap3A_1468 = arith.constant 96 : index
      %swap3A_1469 = tpu.vector_load %arg12[%swap3A_1467, %swap3A_1468] {strides = array<i32>} : memref<15x128xf32, #tpu.memory_space<vmem>>, vector<1x16xf32>,
      %swap3A_1470 = vector.shape_cast %swap3A_1469 : vector<1x16xf32> to vector<16xf32>
      %swap3A_1471 = vector.shape_cast %get3A_1465 : vector<16xf32> to vector<1x16xf32>
      tpu.vector_store %arg12[%swap3A_1467, %swap3A_1468], %swap3A_1471 {strides = array<i32>} : memref<15x128xf32, #tpu.memory_space<vmem>>, vector<1x16xf32>,
      %get3A_1472 = arith.constant 112 : index
      %get3A_1473 = tpu.vector_load %arg11[%get3A_1472] {strides = array<i32>} : memref<192xf32, #tpu.memory_space<vmem>>, vector<16xf32>,
      %get3A_1474 = vector.shape_cast %get3A_1473 : vector<16xf32> to vector<16xf32>
      %swap3A_1475 = arith.constant 10 : i32
      %swap3A_1476 = arith.index_cast %swap3A_1475 : i32 to index
      %swap3A_1477 = arith.constant 112 : index
      %swap3A_1478 = tpu.vector_load %arg12[%swap3A_1476, %swap3A_1477] {strides = array<i32>} : memref<15x128xf32, #tpu.memory_space<vmem>>, vector<1x16xf32>,
      %swap3A_1479 = vector.shape_cast %swap3A_1478 : vector<1x16xf32> to vector<16xf32>
      %swap3A_1480 = vector.shape_cast %get3A_1474 : vector<16xf32> to vector<1x16xf32>
      tpu.vector_store %arg12[%swap3A_1476, %swap3A_1477], %swap3A_1480 {strides = array<i32>} : memref<15x128xf32, #tpu.memory_space<vmem>>, vector<1x16xf32>,
      %get3A_1481 = arith.constant 192 : index
      %get3A_1482 = tpu.vector_load %arg10[%get3A_1481] {strides = array<i32>} : memref<320xf32, #tpu.memory_space<vmem>>, vector<16xf32>,
      %get3A_1483 = vector.shape_cast %get3A_1482 : vector<16xf32> to vector<16xf32>
      %swap3A_1484 = arith.constant 11 : i32
      %swap3A_1485 = arith.index_cast %swap3A_1484 : i32 to index
      %swap3A_1486 = arith.constant 0 : index
      %swap3A_1487 = tpu.vector_load %arg12[%swap3A_1485, %swap3A_1486] {strides = array<i32>} : memref<15x128xf32, #tpu.memory_space<vmem>>, vector<1x16xf32>,
      %swap3A_1488 = vector.shape_cast %swap3A_1487 : vector<1x16xf32> to vector<16xf32>
      %swap3A_1489 = vector.shape_cast %get3A_1483 : vector<16xf32> to vector<1x16xf32>
      tpu.vector_store %arg12[%swap3A_1485, %swap3A_1486], %swap3A_1489 {strides = array<i32>} : memref<15x128xf32, #tpu.memory_space<vmem>>, vector<1x16xf32>,
      %get3A_1490 = arith.constant 208 : index
      %get3A_1491 = tpu.vector_load %arg10[%get3A_1490] {strides = array<i32>} : memref<320xf32, #tpu.memory_space<vmem>>, vector<16xf32>,
      %get3A_1492 = vector.shape_cast %get3A_1491 : vector<16xf32> to vector<16xf32>
      %swap3A_1493 = arith.constant 11 : i32
      %swap3A_1494 = arith.index_cast %swap3A_1493 : i32 to index
      %swap3A_1495 = arith.constant 16 : index
      %swap3A_1496 = tpu.vector_load %arg12[%swap3A_1494, %swap3A_1495] {strides = array<i32>} : memref<15x128xf32, #tpu.memory_space<vmem>>, vector<1x16xf32>,
      %swap3A_1497 = vector.shape_cast %swap3A_1496 : vector<1x16xf32> to vector<16xf32>
      %swap3A_1498 = vector.shape_cast %get3A_1492 : vector<16xf32> to vector<1x16xf32>
      tpu.vector_store %arg12[%swap3A_1494, %swap3A_1495], %swap3A_1498 {strides = array<i32>} : memref<15x128xf32, #tpu.memory_space<vmem>>, vector<1x16xf32>,
      %get3A_1499 = arith.constant 224 : index
      %get3A_1500 = tpu.vector_load %arg10[%get3A_1499] {strides = array<i32>} : memref<320xf32, #tpu.memory_space<vmem>>, vector<16xf32>,
      %get3A_1501 = vector.shape_cast %get3A_1500 : vector<16xf32> to vector<16xf32>
      %swap3A_1502 = arith.constant 11 : i32
      %swap3A_1503 = arith.index_cast %swap3A_1502 : i32 to index
      %swap3A_1504 = arith.constant 32 : index
      %swap3A_1505 = tpu.vector_load %arg12[%swap3A_1503, %swap3A_1504] {strides = array<i32>} : memref<15x128xf32, #tpu.memory_space<vmem>>, vector<1x16xf32>,
      %swap3A_1506 = vector.shape_cast %swap3A_1505 : vector<1x16xf32> to vector<16xf32>
      %swap3A_1507 = vector.shape_cast %get3A_1501 : vector<16xf32> to vector<1x16xf32>
      tpu.vector_store %arg12[%swap3A_1503, %swap3A_1504], %swap3A_1507 {strides = array<i32>} : memref<15x128xf32, #tpu.memory_space<vmem>>, vector<1x16xf32>,
      %get3A_1508 = arith.constant 240 : index
      %get3A_1509 = tpu.vector_load %arg10[%get3A_1508] {strides = array<i32>} : memref<320xf32, #tpu.memory_space<vmem>>, vector<16xf32>,
      %get3A_1510 = vector.shape_cast %get3A_1509 : vector<16xf32> to vector<16xf32>
      %swap3A_1511 = arith.constant 11 : i32
      %swap3A_1512 = arith.index_cast %swap3A_1511 : i32 to index
      %swap3A_1513 = arith.constant 48 : index
      %swap3A_1514 = tpu.vector_load %arg12[%swap3A_1512, %swap3A_1513] {strides = array<i32>} : memref<15x128xf32, #tpu.memory_space<vmem>>, vector<1x16xf32>,
      %swap3A_1515 = vector.shape_cast %swap3A_1514 : vector<1x16xf32> to vector<16xf32>
      %swap3A_1516 = vector.shape_cast %get3A_1510 : vector<16xf32> to vector<1x16xf32>
      tpu.vector_store %arg12[%swap3A_1512, %swap3A_1513], %swap3A_1516 {strides = array<i32>} : memref<15x128xf32, #tpu.memory_space<vmem>>, vector<1x16xf32>,
      %get3A_1517 = arith.constant 128 : index
      %get3A_1518 = tpu.vector_load %arg11[%get3A_1517] {strides = array<i32>} : memref<192xf32, #tpu.memory_space<vmem>>, vector<16xf32>,
      %get3A_1519 = vector.shape_cast %get3A_1518 : vector<16xf32> to vector<16xf32>
      %swap3A_1520 = arith.constant 11 : i32
      %swap3A_1521 = arith.index_cast %swap3A_1520 : i32 to index
      %swap3A_1522 = arith.constant 64 : index
      %swap3A_1523 = tpu.vector_load %arg12[%swap3A_1521, %swap3A_1522] {strides = array<i32>} : memref<15x128xf32, #tpu.memory_space<vmem>>, vector<1x16xf32>,
      %swap3A_1524 = vector.shape_cast %swap3A_1523 : vector<1x16xf32> to vector<16xf32>
      %swap3A_1525 = vector.shape_cast %get3A_1519 : vector<16xf32> to vector<1x16xf32>
      tpu.vector_store %arg12[%swap3A_1521, %swap3A_1522], %swap3A_1525 {strides = array<i32>} : memref<15x128xf32, #tpu.memory_space<vmem>>, vector<1x16xf32>,
      %get3A_1526 = arith.constant 144 : index
      %get3A_1527 = tpu.vector_load %arg11[%get3A_1526] {strides = array<i32>} : memref<192xf32, #tpu.memory_space<vmem>>, vector<16xf32>,
      %get3A_1528 = vector.shape_cast %get3A_1527 : vector<16xf32> to vector<16xf32>
      %swap3A_1529 = arith.constant 11 : i32
      %swap3A_1530 = arith.index_cast %swap3A_1529 : i32 to index
      %swap3A_1531 = arith.constant 80 : index
      %swap3A_1532 = tpu.vector_load %arg12[%swap3A_1530, %swap3A_1531] {strides = array<i32>} : memref<15x128xf32, #tpu.memory_space<vmem>>, vector<1x16xf32>,
      %swap3A_1533 = vector.shape_cast %swap3A_1532 : vector<1x16xf32> to vector<16xf32>
      %swap3A_1534 = vector.shape_cast %get3A_1528 : vector<16xf32> to vector<1x16xf32>
      tpu.vector_store %arg12[%swap3A_1530, %swap3A_1531], %swap3A_1534 {strides = array<i32>} : memref<15x128xf32, #tpu.memory_space<vmem>>, vector<1x16xf32>,
      %get3A_1535 = arith.constant 160 : index
      %get3A_1536 = tpu.vector_load %arg11[%get3A_1535] {strides = array<i32>} : memref<192xf32, #tpu.memory_space<vmem>>, vector<16xf32>,
      %get3A_1537 = vector.shape_cast %get3A_1536 : vector<16xf32> to vector<16xf32>
      %swap3A_1538 = arith.constant 11 : i32
      %swap3A_1539 = arith.index_cast %swap3A_1538 : i32 to index
      %swap3A_1540 = arith.constant 96 : index
      %swap3A_1541 = tpu.vector_load %arg12[%swap3A_1539, %swap3A_1540] {strides = array<i32>} : memref<15x128xf32, #tpu.memory_space<vmem>>, vector<1x16xf32>,
      %swap3A_1542 = vector.shape_cast %swap3A_1541 : vector<1x16xf32> to vector<16xf32>
      %swap3A_1543 = vector.shape_cast %get3A_1537 : vector<16xf32> to vector<1x16xf32>
      tpu.vector_store %arg12[%swap3A_1539, %swap3A_1540], %swap3A_1543 {strides = array<i32>} : memref<15x128xf32, #tpu.memory_space<vmem>>, vector<1x16xf32>,
      %get3A_1544 = arith.constant 176 : index
      %get3A_1545 = tpu.vector_load %arg11[%get3A_1544] {strides = array<i32>} : memref<192xf32, #tpu.memory_space<vmem>>, vector<16xf32>,
      %get3A_1546 = vector.shape_cast %get3A_1545 : vector<16xf32> to vector<16xf32>
      %swap3A_1547 = arith.constant 11 : i32
      %swap3A_1548 = arith.index_cast %swap3A_1547 : i32 to index
      %swap3A_1549 = arith.constant 112 : index
      %swap3A_1550 = tpu.vector_load %arg12[%swap3A_1548, %swap3A_1549] {strides = array<i32>} : memref<15x128xf32, #tpu.memory_space<vmem>>, vector<1x16xf32>,
      %swap3A_1551 = vector.shape_cast %swap3A_1550 : vector<1x16xf32> to vector<16xf32>
      %swap3A_1552 = vector.shape_cast %get3A_1546 : vector<16xf32> to vector<1x16xf32>
      tpu.vector_store %arg12[%swap3A_1548, %swap3A_1549], %swap3A_1552 {strides = array<i32>} : memref<15x128xf32, #tpu.memory_space<vmem>>, vector<1x16xf32>,
      %get3A_1553 = arith.constant 256 : index
      %get3A_1554 = tpu.vector_load %arg10[%get3A_1553] {strides = array<i32>} : memref<320xf32, #tpu.memory_space<vmem>>, vector<16xf32>,
      %get3A_1555 = vector.shape_cast %get3A_1554 : vector<16xf32> to vector<16xf32>
      %swap3A_1556 = arith.constant 12 : i32
      %swap3A_1557 = arith.index_cast %swap3A_1556 : i32 to index
      %swap3A_1558 = arith.constant 0 : index
      %swap3A_1559 = tpu.vector_load %arg12[%swap3A_1557, %swap3A_1558] {strides = array<i32>} : memref<15x128xf32, #tpu.memory_space<vmem>>, vector<1x16xf32>,
      %swap3A_1560 = vector.shape_cast %swap3A_1559 : vector<1x16xf32> to vector<16xf32>
      %swap3A_1561 = vector.shape_cast %get3A_1555 : vector<16xf32> to vector<1x16xf32>
      tpu.vector_store %arg12[%swap3A_1557, %swap3A_1558], %swap3A_1561 {strides = array<i32>} : memref<15x128xf32, #tpu.memory_space<vmem>>, vector<1x16xf32>,
      %get3A_1562 = arith.constant 272 : index
      %get3A_1563 = tpu.vector_load %arg10[%get3A_1562] {strides = array<i32>} : memref<320xf32, #tpu.memory_space<vmem>>, vector<16xf32>,
      %get3A_1564 = vector.shape_cast %get3A_1563 : vector<16xf32> to vector<16xf32>
      %swap3A_1565 = arith.constant 12 : i32
      %swap3A_1566 = arith.index_cast %swap3A_1565 : i32 to index
      %swap3A_1567 = arith.constant 16 : index
      %swap3A_1568 = tpu.vector_load %arg12[%swap3A_1566, %swap3A_1567] {strides = array<i32>} : memref<15x128xf32, #tpu.memory_space<vmem>>, vector<1x16xf32>,
      %swap3A_1569 = vector.shape_cast %swap3A_1568 : vector<1x16xf32> to vector<16xf32>
      %swap3A_1570 = vector.shape_cast %get3A_1564 : vector<16xf32> to vector<1x16xf32>
      tpu.vector_store %arg12[%swap3A_1566, %swap3A_1567], %swap3A_1570 {strides = array<i32>} : memref<15x128xf32, #tpu.memory_space<vmem>>, vector<1x16xf32>,
      %get3A_1571 = arith.constant 288 : index
      %get3A_1572 = tpu.vector_load %arg10[%get3A_1571] {strides = array<i32>} : memref<320xf32, #tpu.memory_space<vmem>>, vector<16xf32>,
      %get3A_1573 = vector.shape_cast %get3A_1572 : vector<16xf32> to vector<16xf32>
      %swap3A_1574 = arith.constant 12 : i32
      %swap3A_1575 = arith.index_cast %swap3A_1574 : i32 to index
      %swap3A_1576 = arith.constant 32 : index
      %swap3A_1577 = tpu.vector_load %arg12[%swap3A_1575, %swap3A_1576] {strides = array<i32>} : memref<15x128xf32, #tpu.memory_space<vmem>>, vector<1x16xf32>,
      %swap3A_1578 = vector.shape_cast %swap3A_1577 : vector<1x16xf32> to vector<16xf32>
      %swap3A_1579 = vector.shape_cast %get3A_1573 : vector<16xf32> to vector<1x16xf32>
      tpu.vector_store %arg12[%swap3A_1575, %swap3A_1576], %swap3A_1579 {strides = array<i32>} : memref<15x128xf32, #tpu.memory_space<vmem>>, vector<1x16xf32>,
      %get3A_1580 = arith.constant 304 : index
      %get3A_1581 = tpu.vector_load %arg10[%get3A_1580] {strides = array<i32>} : memref<320xf32, #tpu.memory_space<vmem>>, vector<16xf32>,
      %get3A_1582 = vector.shape_cast %get3A_1581 : vector<16xf32> to vector<16xf32>
      %swap3A_1583 = arith.constant 12 : i32
      %swap3A_1584 = arith.index_cast %swap3A_1583 : i32 to index
      %swap3A_1585 = arith.constant 48 : index
      %swap3A_1586 = tpu.vector_load %arg12[%swap3A_1584, %swap3A_1585] {strides = array<i32>} : memref<15x128xf32, #tpu.memory_space<vmem>>, vector<1x16xf32>,
      %swap3A_1587 = vector.shape_cast %swap3A_1586 : vector<1x16xf32> to vector<16xf32>
      %swap3A_1588 = vector.shape_cast %get3A_1582 : vector<16xf32> to vector<1x16xf32>
      tpu.vector_store %arg12[%swap3A_1584, %swap3A_1585], %swap3A_1588 {strides = array<i32>} : memref<15x128xf32, #tpu.memory_space<vmem>>, vector<1x16xf32>,
      %get3A_1589 = arith.constant 0 : index
      %get3A_1590 = tpu.vector_load %arg11[%get3A_1589] {strides = array<i32>} : memref<192xf32, #tpu.memory_space<vmem>>, vector<16xf32>,
      %get3A_1591 = vector.shape_cast %get3A_1590 : vector<16xf32> to vector<16xf32>
      %swap3A_1592 = arith.constant 12 : i32
      %swap3A_1593 = arith.index_cast %swap3A_1592 : i32 to index
      %swap3A_1594 = arith.constant 64 : index
      %swap3A_1595 = tpu.vector_load %arg12[%swap3A_1593, %swap3A_1594] {strides = array<i32>} : memref<15x128xf32, #tpu.memory_space<vmem>>, vector<1x16xf32>,
      %swap3A_1596 = vector.shape_cast %swap3A_1595 : vector<1x16xf32> to vector<16xf32>
      %swap3A_1597 = vector.shape_cast %get3A_1591 : vector<16xf32> to vector<1x16xf32>
      tpu.vector_store %arg12[%swap3A_1593, %swap3A_1594], %swap3A_1597 {strides = array<i32>} : memref<15x128xf32, #tpu.memory_space<vmem>>, vector<1x16xf32>,
      %get3A_1598 = arith.constant 16 : index
      %get3A_1599 = tpu.vector_load %arg11[%get3A_1598] {strides = array<i32>} : memref<192xf32, #tpu.memory_space<vmem>>, vector<16xf32>,
      %get3A_1600 = vector.shape_cast %get3A_1599 : vector<16xf32> to vector<16xf32>
      %swap3A_1601 = arith.constant 12 : i32
      %swap3A_1602 = arith.index_cast %swap3A_1601 : i32 to index
      %swap3A_1603 = arith.constant 80 : index
      %swap3A_1604 = tpu.vector_load %arg12[%swap3A_1602, %swap3A_1603] {strides = array<i32>} : memref<15x128xf32, #tpu.memory_space<vmem>>, vector<1x16xf32>,
      %swap3A_1605 = vector.shape_cast %swap3A_1604 : vector<1x16xf32> to vector<16xf32>
      %swap3A_1606 = vector.shape_cast %get3A_1600 : vector<16xf32> to vector<1x16xf32>
      tpu.vector_store %arg12[%swap3A_1602, %swap3A_1603], %swap3A_1606 {strides = array<i32>} : memref<15x128xf32, #tpu.memory_space<vmem>>, vector<1x16xf32>,
      %get3A_1607 = arith.constant 32 : index
      %get3A_1608 = tpu.vector_load %arg11[%get3A_1607] {strides = array<i32>} : memref<192xf32, #tpu.memory_space<vmem>>, vector<16xf32>,
      %get3A_1609 = vector.shape_cast %get3A_1608 : vector<16xf32> to vector<16xf32>
      %swap3A_1610 = arith.constant 12 : i32
      %swap3A_1611 = arith.index_cast %swap3A_1610 : i32 to index
      %swap3A_1612 = arith.constant 96 : index
      %swap3A_1613 = tpu.vector_load %arg12[%swap3A_1611, %swap3A_1612] {strides = array<i32>} : memref<15x128xf32, #tpu.memory_space<vmem>>, vector<1x16xf32>,
      %swap3A_1614 = vector.shape_cast %swap3A_1613 : vector<1x16xf32> to vector<16xf32>
      %swap3A_1615 = vector.shape_cast %get3A_1609 : vector<16xf32> to vector<1x16xf32>
      tpu.vector_store %arg12[%swap3A_1611, %swap3A_1612], %swap3A_1615 {strides = array<i32>} : memref<15x128xf32, #tpu.memory_space<vmem>>, vector<1x16xf32>,
      %get3A_1616 = arith.constant 48 : index
      %get3A_1617 = tpu.vector_load %arg11[%get3A_1616] {strides = array<i32>} : memref<192xf32, #tpu.memory_space<vmem>>, vector<16xf32>,
      %get3A_1618 = vector.shape_cast %get3A_1617 : vector<16xf32> to vector<16xf32>
      %swap3A_1619 = arith.constant 12 : i32
      %swap3A_1620 = arith.index_cast %swap3A_1619 : i32 to index
      %swap3A_1621 = arith.constant 112 : index
      %swap3A_1622 = tpu.vector_load %arg12[%swap3A_1620, %swap3A_1621] {strides = array<i32>} : memref<15x128xf32, #tpu.memory_space<vmem>>, vector<1x16xf32>,
      %swap3A_1623 = vector.shape_cast %swap3A_1622 : vector<1x16xf32> to vector<16xf32>
      %swap3A_1624 = vector.shape_cast %get3A_1618 : vector<16xf32> to vector<1x16xf32>
      tpu.vector_store %arg12[%swap3A_1620, %swap3A_1621], %swap3A_1624 {strides = array<i32>} : memref<15x128xf32, #tpu.memory_space<vmem>>, vector<1x16xf32>,
      %get3A_1625 = arith.constant 256 : index
      %get3A_1626 = tpu.vector_load %arg10[%get3A_1625] {strides = array<i32>} : memref<320xf32, #tpu.memory_space<vmem>>, vector<16xf32>,
      %get3A_1627 = vector.shape_cast %get3A_1626 : vector<16xf32> to vector<16xf32>
      %swap3A_1628 = arith.constant 13 : i32
      %swap3A_1629 = arith.index_cast %swap3A_1628 : i32 to index
      %swap3A_1630 = arith.constant 0 : index
      %swap3A_1631 = tpu.vector_load %arg12[%swap3A_1629, %swap3A_1630] {strides = array<i32>} : memref<15x128xf32, #tpu.memory_space<vmem>>, vector<1x16xf32>,
      %swap3A_1632 = vector.shape_cast %swap3A_1631 : vector<1x16xf32> to vector<16xf32>
      %swap3A_1633 = vector.shape_cast %get3A_1627 : vector<16xf32> to vector<1x16xf32>
      tpu.vector_store %arg12[%swap3A_1629, %swap3A_1630], %swap3A_1633 {strides = array<i32>} : memref<15x128xf32, #tpu.memory_space<vmem>>, vector<1x16xf32>,
      %get3A_1634 = arith.constant 272 : index
      %get3A_1635 = tpu.vector_load %arg10[%get3A_1634] {strides = array<i32>} : memref<320xf32, #tpu.memory_space<vmem>>, vector<16xf32>,
      %get3A_1636 = vector.shape_cast %get3A_1635 : vector<16xf32> to vector<16xf32>
      %swap3A_1637 = arith.constant 13 : i32
      %swap3A_1638 = arith.index_cast %swap3A_1637 : i32 to index
      %swap3A_1639 = arith.constant 16 : index
      %swap3A_1640 = tpu.vector_load %arg12[%swap3A_1638, %swap3A_1639] {strides = array<i32>} : memref<15x128xf32, #tpu.memory_space<vmem>>, vector<1x16xf32>,
      %swap3A_1641 = vector.shape_cast %swap3A_1640 : vector<1x16xf32> to vector<16xf32>
      %swap3A_1642 = vector.shape_cast %get3A_1636 : vector<16xf32> to vector<1x16xf32>
      tpu.vector_store %arg12[%swap3A_1638, %swap3A_1639], %swap3A_1642 {strides = array<i32>} : memref<15x128xf32, #tpu.memory_space<vmem>>, vector<1x16xf32>,
      %get3A_1643 = arith.constant 288 : index
      %get3A_1644 = tpu.vector_load %arg10[%get3A_1643] {strides = array<i32>} : memref<320xf32, #tpu.memory_space<vmem>>, vector<16xf32>,
      %get3A_1645 = vector.shape_cast %get3A_1644 : vector<16xf32> to vector<16xf32>
      %swap3A_1646 = arith.constant 13 : i32
      %swap3A_1647 = arith.index_cast %swap3A_1646 : i32 to index
      %swap3A_1648 = arith.constant 32 : index
      %swap3A_1649 = tpu.vector_load %arg12[%swap3A_1647, %swap3A_1648] {strides = array<i32>} : memref<15x128xf32, #tpu.memory_space<vmem>>, vector<1x16xf32>,
      %swap3A_1650 = vector.shape_cast %swap3A_1649 : vector<1x16xf32> to vector<16xf32>
      %swap3A_1651 = vector.shape_cast %get3A_1645 : vector<16xf32> to vector<1x16xf32>
      tpu.vector_store %arg12[%swap3A_1647, %swap3A_1648], %swap3A_1651 {strides = array<i32>} : memref<15x128xf32, #tpu.memory_space<vmem>>, vector<1x16xf32>,
      %get3A_1652 = arith.constant 304 : index
      %get3A_1653 = tpu.vector_load %arg10[%get3A_1652] {strides = array<i32>} : memref<320xf32, #tpu.memory_space<vmem>>, vector<16xf32>,
      %get3A_1654 = vector.shape_cast %get3A_1653 : vector<16xf32> to vector<16xf32>
      %swap3A_1655 = arith.constant 13 : i32
      %swap3A_1656 = arith.index_cast %swap3A_1655 : i32 to index
      %swap3A_1657 = arith.constant 48 : index
      %swap3A_1658 = tpu.vector_load %arg12[%swap3A_1656, %swap3A_1657] {strides = array<i32>} : memref<15x128xf32, #tpu.memory_space<vmem>>, vector<1x16xf32>,
      %swap3A_1659 = vector.shape_cast %swap3A_1658 : vector<1x16xf32> to vector<16xf32>
      %swap3A_1660 = vector.shape_cast %get3A_1654 : vector<16xf32> to vector<1x16xf32>
      tpu.vector_store %arg12[%swap3A_1656, %swap3A_1657], %swap3A_1660 {strides = array<i32>} : memref<15x128xf32, #tpu.memory_space<vmem>>, vector<1x16xf32>,
      %get3A_1661 = arith.constant 64 : index
      %get3A_1662 = tpu.vector_load %arg11[%get3A_1661] {strides = array<i32>} : memref<192xf32, #tpu.memory_space<vmem>>, vector<16xf32>,
      %get3A_1663 = vector.shape_cast %get3A_1662 : vector<16xf32> to vector<16xf32>
      %swap3A_1664 = arith.constant 13 : i32
      %swap3A_1665 = arith.index_cast %swap3A_1664 : i32 to index
      %swap3A_1666 = arith.constant 64 : index
      %swap3A_1667 = tpu.vector_load %arg12[%swap3A_1665, %swap3A_1666] {strides = array<i32>} : memref<15x128xf32, #tpu.memory_space<vmem>>, vector<1x16xf32>,
      %swap3A_1668 = vector.shape_cast %swap3A_1667 : vector<1x16xf32> to vector<16xf32>
      %swap3A_1669 = vector.shape_cast %get3A_1663 : vector<16xf32> to vector<1x16xf32>
      tpu.vector_store %arg12[%swap3A_1665, %swap3A_1666], %swap3A_1669 {strides = array<i32>} : memref<15x128xf32, #tpu.memory_space<vmem>>, vector<1x16xf32>,
      %get3A_1670 = arith.constant 80 : index
      %get3A_1671 = tpu.vector_load %arg11[%get3A_1670] {strides = array<i32>} : memref<192xf32, #tpu.memory_space<vmem>>, vector<16xf32>,
      %get3A_1672 = vector.shape_cast %get3A_1671 : vector<16xf32> to vector<16xf32>
      %swap3A_1673 = arith.constant 13 : i32
      %swap3A_1674 = arith.index_cast %swap3A_1673 : i32 to index
      %swap3A_1675 = arith.constant 80 : index
      %swap3A_1676 = tpu.vector_load %arg12[%swap3A_1674, %swap3A_1675] {strides = array<i32>} : memref<15x128xf32, #tpu.memory_space<vmem>>, vector<1x16xf32>,
      %swap3A_1677 = vector.shape_cast %swap3A_1676 : vector<1x16xf32> to vector<16xf32>
      %swap3A_1678 = vector.shape_cast %get3A_1672 : vector<16xf32> to vector<1x16xf32>
      tpu.vector_store %arg12[%swap3A_1674, %swap3A_1675], %swap3A_1678 {strides = array<i32>} : memref<15x128xf32, #tpu.memory_space<vmem>>, vector<1x16xf32>,
      %get3A_1679 = arith.constant 96 : index
      %get3A_1680 = tpu.vector_load %arg11[%get3A_1679] {strides = array<i32>} : memref<192xf32, #tpu.memory_space<vmem>>, vector<16xf32>,
      %get3A_1681 = vector.shape_cast %get3A_1680 : vector<16xf32> to vector<16xf32>
      %swap3A_1682 = arith.constant 13 : i32
      %swap3A_1683 = arith.index_cast %swap3A_1682 : i32 to index
      %swap3A_1684 = arith.constant 96 : index
      %swap3A_1685 = tpu.vector_load %arg12[%swap3A_1683, %swap3A_1684] {strides = array<i32>} : memref<15x128xf32, #tpu.memory_space<vmem>>, vector<1x16xf32>,
      %swap3A_1686 = vector.shape_cast %swap3A_1685 : vector<1x16xf32> to vector<16xf32>
      %swap3A_1687 = vector.shape_cast %get3A_1681 : vector<16xf32> to vector<1x16xf32>
      tpu.vector_store %arg12[%swap3A_1683, %swap3A_1684], %swap3A_1687 {strides = array<i32>} : memref<15x128xf32, #tpu.memory_space<vmem>>, vector<1x16xf32>,
      %get3A_1688 = arith.constant 112 : index
      %get3A_1689 = tpu.vector_load %arg11[%get3A_1688] {strides = array<i32>} : memref<192xf32, #tpu.memory_space<vmem>>, vector<16xf32>,
      %get3A_1690 = vector.shape_cast %get3A_1689 : vector<16xf32> to vector<16xf32>
      %swap3A_1691 = arith.constant 13 : i32
      %swap3A_1692 = arith.index_cast %swap3A_1691 : i32 to index
      %swap3A_1693 = arith.constant 112 : index
      %swap3A_1694 = tpu.vector_load %arg12[%swap3A_1692, %swap3A_1693] {strides = array<i32>} : memref<15x128xf32, #tpu.memory_space<vmem>>, vector<1x16xf32>,
      %swap3A_1695 = vector.shape_cast %swap3A_1694 : vector<1x16xf32> to vector<16xf32>
      %swap3A_1696 = vector.shape_cast %get3A_1690 : vector<16xf32> to vector<1x16xf32>
      tpu.vector_store %arg12[%swap3A_1692, %swap3A_1693], %swap3A_1696 {strides = array<i32>} : memref<15x128xf32, #tpu.memory_space<vmem>>, vector<1x16xf32>,
      %get3A_1697 = arith.constant 256 : index
      %get3A_1698 = tpu.vector_load %arg10[%get3A_1697] {strides = array<i32>} : memref<320xf32, #tpu.memory_space<vmem>>, vector<16xf32>,
      %get3A_1699 = vector.shape_cast %get3A_1698 : vector<16xf32> to vector<16xf32>
      %swap3A_1700 = arith.constant 14 : i32
      %swap3A_1701 = arith.index_cast %swap3A_1700 : i32 to index
      %swap3A_1702 = arith.constant 0 : index
      %swap3A_1703 = tpu.vector_load %arg12[%swap3A_1701, %swap3A_1702] {strides = array<i32>} : memref<15x128xf32, #tpu.memory_space<vmem>>, vector<1x16xf32>,
      %swap3A_1704 = vector.shape_cast %swap3A_1703 : vector<1x16xf32> to vector<16xf32>
      %swap3A_1705 = vector.shape_cast %get3A_1699 : vector<16xf32> to vector<1x16xf32>
      tpu.vector_store %arg12[%swap3A_1701, %swap3A_1702], %swap3A_1705 {strides = array<i32>} : memref<15x128xf32, #tpu.memory_space<vmem>>, vector<1x16xf32>,
      %get3A_1706 = arith.constant 272 : index
      %get3A_1707 = tpu.vector_load %arg10[%get3A_1706] {strides = array<i32>} : memref<320xf32, #tpu.memory_space<vmem>>, vector<16xf32>,
      %get3A_1708 = vector.shape_cast %get3A_1707 : vector<16xf32> to vector<16xf32>
      %swap3A_1709 = arith.constant 14 : i32
      %swap3A_1710 = arith.index_cast %swap3A_1709 : i32 to index
      %swap3A_1711 = arith.constant 16 : index
      %swap3A_1712 = tpu.vector_load %arg12[%swap3A_1710, %swap3A_1711] {strides = array<i32>} : memref<15x128xf32, #tpu.memory_space<vmem>>, vector<1x16xf32>,
      %swap3A_1713 = vector.shape_cast %swap3A_1712 : vector<1x16xf32> to vector<16xf32>
      %swap3A_1714 = vector.shape_cast %get3A_1708 : vector<16xf32> to vector<1x16xf32>
      tpu.vector_store %arg12[%swap3A_1710, %swap3A_1711], %swap3A_1714 {strides = array<i32>} : memref<15x128xf32, #tpu.memory_space<vmem>>, vector<1x16xf32>,
      %get3A_1715 = arith.constant 288 : index
      %get3A_1716 = tpu.vector_load %arg10[%get3A_1715] {strides = array<i32>} : memref<320xf32, #tpu.memory_space<vmem>>, vector<16xf32>,
      %get3A_1717 = vector.shape_cast %get3A_1716 : vector<16xf32> to vector<16xf32>
      %swap3A_1718 = arith.constant 14 : i32
      %swap3A_1719 = arith.index_cast %swap3A_1718 : i32 to index
      %swap3A_1720 = arith.constant 32 : index
      %swap3A_1721 = tpu.vector_load %arg12[%swap3A_1719, %swap3A_1720] {strides = array<i32>} : memref<15x128xf32, #tpu.memory_space<vmem>>, vector<1x16xf32>,
      %swap3A_1722 = vector.shape_cast %swap3A_1721 : vector<1x16xf32> to vector<16xf32>
      %swap3A_1723 = vector.shape_cast %get3A_1717 : vector<16xf32> to vector<1x16xf32>
      tpu.vector_store %arg12[%swap3A_1719, %swap3A_1720], %swap3A_1723 {strides = array<i32>} : memref<15x128xf32, #tpu.memory_space<vmem>>, vector<1x16xf32>,
      %get3A_1724 = arith.constant 304 : index
      %get3A_1725 = tpu.vector_load %arg10[%get3A_1724] {strides = array<i32>} : memref<320xf32, #tpu.memory_space<vmem>>, vector<16xf32>,
      %get3A_1726 = vector.shape_cast %get3A_1725 : vector<16xf32> to vector<16xf32>
      %swap3A_1727 = arith.constant 14 : i32
      %swap3A_1728 = arith.index_cast %swap3A_1727 : i32 to index
      %swap3A_1729 = arith.constant 48 : index
      %swap3A_1730 = tpu.vector_load %arg12[%swap3A_1728, %swap3A_1729] {strides = array<i32>} : memref<15x128xf32, #tpu.memory_space<vmem>>, vector<1x16xf32>,
      %swap3A_1731 = vector.shape_cast %swap3A_1730 : vector<1x16xf32> to vector<16xf32>
      %swap3A_1732 = vector.shape_cast %get3A_1726 : vector<16xf32> to vector<1x16xf32>
      tpu.vector_store %arg12[%swap3A_1728, %swap3A_1729], %swap3A_1732 {strides = array<i32>} : memref<15x128xf32, #tpu.memory_space<vmem>>, vector<1x16xf32>,
      %get3A_1733 = arith.constant 128 : index
      %get3A_1734 = tpu.vector_load %arg11[%get3A_1733] {strides = array<i32>} : memref<192xf32, #tpu.memory_space<vmem>>, vector<16xf32>,
      %get3A_1735 = vector.shape_cast %get3A_1734 : vector<16xf32> to vector<16xf32>
      %swap3A_1736 = arith.constant 14 : i32
      %swap3A_1737 = arith.index_cast %swap3A_1736 : i32 to index
      %swap3A_1738 = arith.constant 64 : index
      %swap3A_1739 = tpu.vector_load %arg12[%swap3A_1737, %swap3A_1738] {strides = array<i32>} : memref<15x128xf32, #tpu.memory_space<vmem>>, vector<1x16xf32>,
      %swap3A_1740 = vector.shape_cast %swap3A_1739 : vector<1x16xf32> to vector<16xf32>
      %swap3A_1741 = vector.shape_cast %get3A_1735 : vector<16xf32> to vector<1x16xf32>
      tpu.vector_store %arg12[%swap3A_1737, %swap3A_1738], %swap3A_1741 {strides = array<i32>} : memref<15x128xf32, #tpu.memory_space<vmem>>, vector<1x16xf32>,
      %get3A_1742 = arith.constant 144 : index
      %get3A_1743 = tpu.vector_load %arg11[%get3A_1742] {strides = array<i32>} : memref<192xf32, #tpu.memory_space<vmem>>, vector<16xf32>,
      %get3A_1744 = vector.shape_cast %get3A_1743 : vector<16xf32> to vector<16xf32>
      %swap3A_1745 = arith.constant 14 : i32
      %swap3A_1746 = arith.index_cast %swap3A_1745 : i32 to index
      %swap3A_1747 = arith.constant 80 : index
      %swap3A_1748 = tpu.vector_load %arg12[%swap3A_1746, %swap3A_1747] {strides = array<i32>} : memref<15x128xf32, #tpu.memory_space<vmem>>, vector<1x16xf32>,
      %swap3A_1749 = vector.shape_cast %swap3A_1748 : vector<1x16xf32> to vector<16xf32>
      %swap3A_1750 = vector.shape_cast %get3A_1744 : vector<16xf32> to vector<1x16xf32>
      tpu.vector_store %arg12[%swap3A_1746, %swap3A_1747], %swap3A_1750 {strides = array<i32>} : memref<15x128xf32, #tpu.memory_space<vmem>>, vector<1x16xf32>,
      %get3A_1751 = arith.constant 160 : index
      %get3A_1752 = tpu.vector_load %arg11[%get3A_1751] {strides = array<i32>} : memref<192xf32, #tpu.memory_space<vmem>>, vector<16xf32>,
      %get3A_1753 = vector.shape_cast %get3A_1752 : vector<16xf32> to vector<16xf32>
      %swap3A_1754 = arith.constant 14 : i32
      %swap3A_1755 = arith.index_cast %swap3A_1754 : i32 to index
      %swap3A_1756 = arith.constant 96 : index
      %swap3A_1757 = tpu.vector_load %arg12[%swap3A_1755, %swap3A_1756] {strides = array<i32>} : memref<15x128xf32, #tpu.memory_space<vmem>>, vector<1x16xf32>,
      %swap3A_1758 = vector.shape_cast %swap3A_1757 : vector<1x16xf32> to vector<16xf32>
      %swap3A_1759 = vector.shape_cast %get3A_1753 : vector<16xf32> to vector<1x16xf32>
      tpu.vector_store %arg12[%swap3A_1755, %swap3A_1756], %swap3A_1759 {strides = array<i32>} : memref<15x128xf32, #tpu.memory_space<vmem>>, vector<1x16xf32>,
      %get3A_1760 = arith.constant 176 : index
      %get3A_1761 = tpu.vector_load %arg11[%get3A_1760] {strides = array<i32>} : memref<192xf32, #tpu.memory_space<vmem>>, vector<16xf32>,
      %get3A_1762 = vector.shape_cast %get3A_1761 : vector<16xf32> to vector<16xf32>
      %swap3A_1763 = arith.constant 14 : i32
      %swap3A_1764 = arith.index_cast %swap3A_1763 : i32 to index
      %swap3A_1765 = arith.constant 112 : index
      %swap3A_1766 = tpu.vector_load %arg12[%swap3A_1764, %swap3A_1765] {strides = array<i32>} : memref<15x128xf32, #tpu.memory_space<vmem>>, vector<1x16xf32>,
      %swap3A_1767 = vector.shape_cast %swap3A_1766 : vector<1x16xf32> to vector<16xf32>
      %swap3A_1768 = vector.shape_cast %get3A_1762 : vector<16xf32> to vector<1x16xf32>
      tpu.vector_store %arg12[%swap3A_1764, %swap3A_1765], %swap3A_1768 {strides = array<i32>} : memref<15x128xf32, #tpu.memory_space<vmem>>, vector<1x16xf32>,
      "tpu.region"() ({
        %run_scoped3A = tpu.sem_alloc : memref<!tpu.dma_semaphore, #tpu.memory_space<semaphore_mem>>
        tpu.enqueue_dma source(%arg12 : memref<15x128xf32, #tpu.memory_space<vmem>>) target(%arg13 : memref<15x128xf32, #tpu.memory_space<vmem_shared>>) target_semaphore(%run_scoped3A : memref<!tpu.dma_semaphore, #tpu.memory_space<semaphore_mem>>)
        tpu.wait_dma2 semaphore(%run_scoped3A : memref<!tpu.dma_semaphore, #tpu.memory_space<semaphore_mem>>) src(%arg12 : memref<15x128xf32, #tpu.memory_space<vmem>>) dst(%arg13 : memref<15x128xf32, #tpu.memory_space<vmem_shared>>)
        tpu.yield
      }) : () -> ()
    } else {
    }
    %dma_wait3A = tpu.memref_slice %arg2[%mul3A_2] : memref<16384xi32, #tpu.memory_space<hbm>> -> memref<512xi32, #tpu.memory_space<hbm>>
    %dma_wait3A_8 = tpu.memref_slice %arg2[%mul3A_2] : memref<16384xi32, #tpu.memory_space<hbm>> -> memref<512xi32, #tpu.memory_space<hbm>>
    tpu.wait_dma2 semaphore(%arg15 : memref<!tpu.dma_semaphore, #tpu.memory_space<semaphore_mem>>) src(%dma_wait3A_8 : memref<512xi32, #tpu.memory_space<hbm>>) dst(%arg7 : memref<512xi32, #tpu.memory_space<vmem>>)
    %dma_wait3A_9 = tpu.memref_slice %arg3[%mul3A_2] : memref<16384xi32, #tpu.memory_space<hbm>> -> memref<512xi32, #tpu.memory_space<hbm>>
    %dma_wait3A_10 = tpu.memref_slice %arg3[%mul3A_2] : memref<16384xi32, #tpu.memory_space<hbm>> -> memref<512xi32, #tpu.memory_space<hbm>>
    tpu.wait_dma2 semaphore(%arg15 : memref<!tpu.dma_semaphore, #tpu.memory_space<semaphore_mem>>) src(%dma_wait3A_10 : memref<512xi32, #tpu.memory_space<hbm>>) dst(%arg8 : memref<512xi32, #tpu.memory_space<vmem>>)
    %get3A = arith.constant 0 : index
    %get3A_11 = tpu.vector_load %arg7[%get3A] {strides = array<i32>} : memref<512xi32, #tpu.memory_space<vmem>>, vector<16xi32>,
    %get3A_12 = vector.shape_cast %get3A_11 : vector<16xi32> to vector<16xi32>
    %get3A_13 = arith.constant 0 : index
    %get3A_14 = tpu.vector_load %arg8[%get3A_13] {strides = array<i32>} : memref<512xi32, #tpu.memory_space<vmem>>, vector<16xi32>,
    %get3A_15 = vector.shape_cast %get3A_14 : vector<16xi32> to vector<16xi32>
    %mul3A_16 = arith.constant 3 : i32
    %mul3A_17 = vector.broadcast %mul3A_16 : i32 to vector<16xi32>
    %mul3A_18 = arith.muli %get3A_12, %mul3A_17 : vector<16xi32>
    %add3A_19 = arith.addi %mul3A_18, %get3A_15 : vector<16xi32>
    %swap3A = arith.constant 0 : i32
    %swap3A_20 = arith.index_cast %swap3A : i32 to index
    %swap3A_21 = arith.constant 0 : index
    %swap3A_22 = tpu.vector_load %arg9[%swap3A_20, %swap3A_21] {strides = array<i32>} : memref<4x128xi32, #tpu.memory_space<vmem>>, vector<1x16xi32>,
    %swap3A_23 = vector.shape_cast %swap3A_22 : vector<1x16xi32> to vector<16xi32>
    %swap3A_24 = vector.shape_cast %add3A_19 : vector<16xi32> to vector<1x16xi32>
    tpu.vector_store %arg9[%swap3A_20, %swap3A_21], %swap3A_24 {strides = array<i32>} : memref<4x128xi32, #tpu.memory_space<vmem>>, vector<1x16xi32>,
    %get3A_25 = arith.constant 16 : index
    %get3A_26 = tpu.vector_load %arg7[%get3A_25] {strides = array<i32>} : memref<512xi32, #tpu.memory_space<vmem>>, vector<16xi32>,
    %get3A_27 = vector.shape_cast %get3A_26 : vector<16xi32> to vector<16xi32>
    %get3A_28 = arith.constant 16 : index
    %get3A_29 = tpu.vector_load %arg8[%get3A_28] {strides = array<i32>} : memref<512xi32, #tpu.memory_space<vmem>>, vector<16xi32>,
    %get3A_30 = vector.shape_cast %get3A_29 : vector<16xi32> to vector<16xi32>
    %mul3A_31 = arith.constant 3 : i32
    %mul3A_32 = vector.broadcast %mul3A_31 : i32 to vector<16xi32>
    %mul3A_33 = arith.muli %get3A_27, %mul3A_32 : vector<16xi32>
    %add3A_34 = arith.addi %mul3A_33, %get3A_30 : vector<16xi32>
    %swap3A_35 = arith.constant 0 : i32
    %swap3A_36 = arith.index_cast %swap3A_35 : i32 to index
    %swap3A_37 = arith.constant 16 : index
    %swap3A_38 = tpu.vector_load %arg9[%swap3A_36, %swap3A_37] {strides = array<i32>} : memref<4x128xi32, #tpu.memory_space<vmem>>, vector<1x16xi32>,
    %swap3A_39 = vector.shape_cast %swap3A_38 : vector<1x16xi32> to vector<16xi32>
    %swap3A_40 = vector.shape_cast %add3A_34 : vector<16xi32> to vector<1x16xi32>
    tpu.vector_store %arg9[%swap3A_36, %swap3A_37], %swap3A_40 {strides = array<i32>} : memref<4x128xi32, #tpu.memory_space<vmem>>, vector<1x16xi32>,
    %get3A_41 = arith.constant 32 : index
    %get3A_42 = tpu.vector_load %arg7[%get3A_41] {strides = array<i32>} : memref<512xi32, #tpu.memory_space<vmem>>, vector<16xi32>,
    %get3A_43 = vector.shape_cast %get3A_42 : vector<16xi32> to vector<16xi32>
    %get3A_44 = arith.constant 32 : index
    %get3A_45 = tpu.vector_load %arg8[%get3A_44] {strides = array<i32>} : memref<512xi32, #tpu.memory_space<vmem>>, vector<16xi32>,
    %get3A_46 = vector.shape_cast %get3A_45 : vector<16xi32> to vector<16xi32>
    %mul3A_47 = arith.constant 3 : i32
    %mul3A_48 = vector.broadcast %mul3A_47 : i32 to vector<16xi32>
    %mul3A_49 = arith.muli %get3A_43, %mul3A_48 : vector<16xi32>
    %add3A_50 = arith.addi %mul3A_49, %get3A_46 : vector<16xi32>
    %swap3A_51 = arith.constant 0 : i32
    %swap3A_52 = arith.index_cast %swap3A_51 : i32 to index
    %swap3A_53 = arith.constant 32 : index
    %swap3A_54 = tpu.vector_load %arg9[%swap3A_52, %swap3A_53] {strides = array<i32>} : memref<4x128xi32, #tpu.memory_space<vmem>>, vector<1x16xi32>,
    %swap3A_55 = vector.shape_cast %swap3A_54 : vector<1x16xi32> to vector<16xi32>
    %swap3A_56 = vector.shape_cast %add3A_50 : vector<16xi32> to vector<1x16xi32>
    tpu.vector_store %arg9[%swap3A_52, %swap3A_53], %swap3A_56 {strides = array<i32>} : memref<4x128xi32, #tpu.memory_space<vmem>>, vector<1x16xi32>,
    %get3A_57 = arith.constant 48 : index
    %get3A_58 = tpu.vector_load %arg7[%get3A_57] {strides = array<i32>} : memref<512xi32, #tpu.memory_space<vmem>>, vector<16xi32>,
    %get3A_59 = vector.shape_cast %get3A_58 : vector<16xi32> to vector<16xi32>
    %get3A_60 = arith.constant 48 : index
    %get3A_61 = tpu.vector_load %arg8[%get3A_60] {strides = array<i32>} : memref<512xi32, #tpu.memory_space<vmem>>, vector<16xi32>,
    %get3A_62 = vector.shape_cast %get3A_61 : vector<16xi32> to vector<16xi32>
    %mul3A_63 = arith.constant 3 : i32
    %mul3A_64 = vector.broadcast %mul3A_63 : i32 to vector<16xi32>
    %mul3A_65 = arith.muli %get3A_59, %mul3A_64 : vector<16xi32>
    %add3A_66 = arith.addi %mul3A_65, %get3A_62 : vector<16xi32>
    %swap3A_67 = arith.constant 0 : i32
    %swap3A_68 = arith.index_cast %swap3A_67 : i32 to index
    %swap3A_69 = arith.constant 48 : index
    %swap3A_70 = tpu.vector_load %arg9[%swap3A_68, %swap3A_69] {strides = array<i32>} : memref<4x128xi32, #tpu.memory_space<vmem>>, vector<1x16xi32>,
    %swap3A_71 = vector.shape_cast %swap3A_70 : vector<1x16xi32> to vector<16xi32>
    %swap3A_72 = vector.shape_cast %add3A_66 : vector<16xi32> to vector<1x16xi32>
    tpu.vector_store %arg9[%swap3A_68, %swap3A_69], %swap3A_72 {strides = array<i32>} : memref<4x128xi32, #tpu.memory_space<vmem>>, vector<1x16xi32>,
    %get3A_73 = arith.constant 64 : index
    %get3A_74 = tpu.vector_load %arg7[%get3A_73] {strides = array<i32>} : memref<512xi32, #tpu.memory_space<vmem>>, vector<16xi32>,
    %get3A_75 = vector.shape_cast %get3A_74 : vector<16xi32> to vector<16xi32>
    %get3A_76 = arith.constant 64 : index
    %get3A_77 = tpu.vector_load %arg8[%get3A_76] {strides = array<i32>} : memref<512xi32, #tpu.memory_space<vmem>>, vector<16xi32>,
    %get3A_78 = vector.shape_cast %get3A_77 : vector<16xi32> to vector<16xi32>
    %mul3A_79 = arith.constant 3 : i32
    %mul3A_80 = vector.broadcast %mul3A_79 : i32 to vector<16xi32>
    %mul3A_81 = arith.muli %get3A_75, %mul3A_80 : vector<16xi32>
    %add3A_82 = arith.addi %mul3A_81, %get3A_78 : vector<16xi32>
    %swap3A_83 = arith.constant 0 : i32
    %swap3A_84 = arith.index_cast %swap3A_83 : i32 to index
    %swap3A_85 = arith.constant 64 : index
    %swap3A_86 = tpu.vector_load %arg9[%swap3A_84, %swap3A_85] {strides = array<i32>} : memref<4x128xi32, #tpu.memory_space<vmem>>, vector<1x16xi32>,
    %swap3A_87 = vector.shape_cast %swap3A_86 : vector<1x16xi32> to vector<16xi32>
    %swap3A_88 = vector.shape_cast %add3A_82 : vector<16xi32> to vector<1x16xi32>
    tpu.vector_store %arg9[%swap3A_84, %swap3A_85], %swap3A_88 {strides = array<i32>} : memref<4x128xi32, #tpu.memory_space<vmem>>, vector<1x16xi32>,
    %get3A_89 = arith.constant 80 : index
    %get3A_90 = tpu.vector_load %arg7[%get3A_89] {strides = array<i32>} : memref<512xi32, #tpu.memory_space<vmem>>, vector<16xi32>,
    %get3A_91 = vector.shape_cast %get3A_90 : vector<16xi32> to vector<16xi32>
    %get3A_92 = arith.constant 80 : index
    %get3A_93 = tpu.vector_load %arg8[%get3A_92] {strides = array<i32>} : memref<512xi32, #tpu.memory_space<vmem>>, vector<16xi32>,
    %get3A_94 = vector.shape_cast %get3A_93 : vector<16xi32> to vector<16xi32>
    %mul3A_95 = arith.constant 3 : i32
    %mul3A_96 = vector.broadcast %mul3A_95 : i32 to vector<16xi32>
    %mul3A_97 = arith.muli %get3A_91, %mul3A_96 : vector<16xi32>
    %add3A_98 = arith.addi %mul3A_97, %get3A_94 : vector<16xi32>
    %swap3A_99 = arith.constant 0 : i32
    %swap3A_100 = arith.index_cast %swap3A_99 : i32 to index
    %swap3A_101 = arith.constant 80 : index
    %swap3A_102 = tpu.vector_load %arg9[%swap3A_100, %swap3A_101] {strides = array<i32>} : memref<4x128xi32, #tpu.memory_space<vmem>>, vector<1x16xi32>,
    %swap3A_103 = vector.shape_cast %swap3A_102 : vector<1x16xi32> to vector<16xi32>
    %swap3A_104 = vector.shape_cast %add3A_98 : vector<16xi32> to vector<1x16xi32>
    tpu.vector_store %arg9[%swap3A_100, %swap3A_101], %swap3A_104 {strides = array<i32>} : memref<4x128xi32, #tpu.memory_space<vmem>>, vector<1x16xi32>,
    %get3A_105 = arith.constant 96 : index
    %get3A_106 = tpu.vector_load %arg7[%get3A_105] {strides = array<i32>} : memref<512xi32, #tpu.memory_space<vmem>>, vector<16xi32>,
    %get3A_107 = vector.shape_cast %get3A_106 : vector<16xi32> to vector<16xi32>
    %get3A_108 = arith.constant 96 : index
    %get3A_109 = tpu.vector_load %arg8[%get3A_108] {strides = array<i32>} : memref<512xi32, #tpu.memory_space<vmem>>, vector<16xi32>,
    %get3A_110 = vector.shape_cast %get3A_109 : vector<16xi32> to vector<16xi32>
    %mul3A_111 = arith.constant 3 : i32
    %mul3A_112 = vector.broadcast %mul3A_111 : i32 to vector<16xi32>
    %mul3A_113 = arith.muli %get3A_107, %mul3A_112 : vector<16xi32>
    %add3A_114 = arith.addi %mul3A_113, %get3A_110 : vector<16xi32>
    %swap3A_115 = arith.constant 0 : i32
    %swap3A_116 = arith.index_cast %swap3A_115 : i32 to index
    %swap3A_117 = arith.constant 96 : index
    %swap3A_118 = tpu.vector_load %arg9[%swap3A_116, %swap3A_117] {strides = array<i32>} : memref<4x128xi32, #tpu.memory_space<vmem>>, vector<1x16xi32>,
    %swap3A_119 = vector.shape_cast %swap3A_118 : vector<1x16xi32> to vector<16xi32>
    %swap3A_120 = vector.shape_cast %add3A_114 : vector<16xi32> to vector<1x16xi32>
    tpu.vector_store %arg9[%swap3A_116, %swap3A_117], %swap3A_120 {strides = array<i32>} : memref<4x128xi32, #tpu.memory_space<vmem>>, vector<1x16xi32>,
    %get3A_121 = arith.constant 112 : index
    %get3A_122 = tpu.vector_load %arg7[%get3A_121] {strides = array<i32>} : memref<512xi32, #tpu.memory_space<vmem>>, vector<16xi32>,
    %get3A_123 = vector.shape_cast %get3A_122 : vector<16xi32> to vector<16xi32>
    %get3A_124 = arith.constant 112 : index
    %get3A_125 = tpu.vector_load %arg8[%get3A_124] {strides = array<i32>} : memref<512xi32, #tpu.memory_space<vmem>>, vector<16xi32>,
    %get3A_126 = vector.shape_cast %get3A_125 : vector<16xi32> to vector<16xi32>
    %mul3A_127 = arith.constant 3 : i32
    %mul3A_128 = vector.broadcast %mul3A_127 : i32 to vector<16xi32>
    %mul3A_129 = arith.muli %get3A_123, %mul3A_128 : vector<16xi32>
    %add3A_130 = arith.addi %mul3A_129, %get3A_126 : vector<16xi32>
    %swap3A_131 = arith.constant 0 : i32
    %swap3A_132 = arith.index_cast %swap3A_131 : i32 to index
    %swap3A_133 = arith.constant 112 : index
    %swap3A_134 = tpu.vector_load %arg9[%swap3A_132, %swap3A_133] {strides = array<i32>} : memref<4x128xi32, #tpu.memory_space<vmem>>, vector<1x16xi32>,
    %swap3A_135 = vector.shape_cast %swap3A_134 : vector<1x16xi32> to vector<16xi32>
    %swap3A_136 = vector.shape_cast %add3A_130 : vector<16xi32> to vector<1x16xi32>
    tpu.vector_store %arg9[%swap3A_132, %swap3A_133], %swap3A_136 {strides = array<i32>} : memref<4x128xi32, #tpu.memory_space<vmem>>, vector<1x16xi32>,
    %get3A_137 = arith.constant 128 : index
    %get3A_138 = tpu.vector_load %arg7[%get3A_137] {strides = array<i32>} : memref<512xi32, #tpu.memory_space<vmem>>, vector<16xi32>,
    %get3A_139 = vector.shape_cast %get3A_138 : vector<16xi32> to vector<16xi32>
    %get3A_140 = arith.constant 128 : index
    %get3A_141 = tpu.vector_load %arg8[%get3A_140] {strides = array<i32>} : memref<512xi32, #tpu.memory_space<vmem>>, vector<16xi32>,
    %get3A_142 = vector.shape_cast %get3A_141 : vector<16xi32> to vector<16xi32>
    %mul3A_143 = arith.constant 3 : i32
    %mul3A_144 = vector.broadcast %mul3A_143 : i32 to vector<16xi32>
    %mul3A_145 = arith.muli %get3A_139, %mul3A_144 : vector<16xi32>
    %add3A_146 = arith.addi %mul3A_145, %get3A_142 : vector<16xi32>
    %swap3A_147 = arith.constant 1 : i32
    %swap3A_148 = arith.index_cast %swap3A_147 : i32 to index
    %swap3A_149 = arith.constant 0 : index
    %swap3A_150 = tpu.vector_load %arg9[%swap3A_148, %swap3A_149] {strides = array<i32>} : memref<4x128xi32, #tpu.memory_space<vmem>>, vector<1x16xi32>,
    %swap3A_151 = vector.shape_cast %swap3A_150 : vector<1x16xi32> to vector<16xi32>
    %swap3A_152 = vector.shape_cast %add3A_146 : vector<16xi32> to vector<1x16xi32>
    tpu.vector_store %arg9[%swap3A_148, %swap3A_149], %swap3A_152 {strides = array<i32>} : memref<4x128xi32, #tpu.memory_space<vmem>>, vector<1x16xi32>,
    %get3A_153 = arith.constant 144 : index
    %get3A_154 = tpu.vector_load %arg7[%get3A_153] {strides = array<i32>} : memref<512xi32, #tpu.memory_space<vmem>>, vector<16xi32>,
    %get3A_155 = vector.shape_cast %get3A_154 : vector<16xi32> to vector<16xi32>
    %get3A_156 = arith.constant 144 : index
    %get3A_157 = tpu.vector_load %arg8[%get3A_156] {strides = array<i32>} : memref<512xi32, #tpu.memory_space<vmem>>, vector<16xi32>,
    %get3A_158 = vector.shape_cast %get3A_157 : vector<16xi32> to vector<16xi32>
    %mul3A_159 = arith.constant 3 : i32
    %mul3A_160 = vector.broadcast %mul3A_159 : i32 to vector<16xi32>
    %mul3A_161 = arith.muli %get3A_155, %mul3A_160 : vector<16xi32>
    %add3A_162 = arith.addi %mul3A_161, %get3A_158 : vector<16xi32>
    %swap3A_163 = arith.constant 1 : i32
    %swap3A_164 = arith.index_cast %swap3A_163 : i32 to index
    %swap3A_165 = arith.constant 16 : index
    %swap3A_166 = tpu.vector_load %arg9[%swap3A_164, %swap3A_165] {strides = array<i32>} : memref<4x128xi32, #tpu.memory_space<vmem>>, vector<1x16xi32>,
    %swap3A_167 = vector.shape_cast %swap3A_166 : vector<1x16xi32> to vector<16xi32>
    %swap3A_168 = vector.shape_cast %add3A_162 : vector<16xi32> to vector<1x16xi32>
    tpu.vector_store %arg9[%swap3A_164, %swap3A_165], %swap3A_168 {strides = array<i32>} : memref<4x128xi32, #tpu.memory_space<vmem>>, vector<1x16xi32>,
    %get3A_169 = arith.constant 160 : index
    %get3A_170 = tpu.vector_load %arg7[%get3A_169] {strides = array<i32>} : memref<512xi32, #tpu.memory_space<vmem>>, vector<16xi32>,
    %get3A_171 = vector.shape_cast %get3A_170 : vector<16xi32> to vector<16xi32>
    %get3A_172 = arith.constant 160 : index
    %get3A_173 = tpu.vector_load %arg8[%get3A_172] {strides = array<i32>} : memref<512xi32, #tpu.memory_space<vmem>>, vector<16xi32>,
    %get3A_174 = vector.shape_cast %get3A_173 : vector<16xi32> to vector<16xi32>
    %mul3A_175 = arith.constant 3 : i32
    %mul3A_176 = vector.broadcast %mul3A_175 : i32 to vector<16xi32>
    %mul3A_177 = arith.muli %get3A_171, %mul3A_176 : vector<16xi32>
    %add3A_178 = arith.addi %mul3A_177, %get3A_174 : vector<16xi32>
    %swap3A_179 = arith.constant 1 : i32
    %swap3A_180 = arith.index_cast %swap3A_179 : i32 to index
    %swap3A_181 = arith.constant 32 : index
    %swap3A_182 = tpu.vector_load %arg9[%swap3A_180, %swap3A_181] {strides = array<i32>} : memref<4x128xi32, #tpu.memory_space<vmem>>, vector<1x16xi32>,
    %swap3A_183 = vector.shape_cast %swap3A_182 : vector<1x16xi32> to vector<16xi32>
    %swap3A_184 = vector.shape_cast %add3A_178 : vector<16xi32> to vector<1x16xi32>
    tpu.vector_store %arg9[%swap3A_180, %swap3A_181], %swap3A_184 {strides = array<i32>} : memref<4x128xi32, #tpu.memory_space<vmem>>, vector<1x16xi32>,
    %get3A_185 = arith.constant 176 : index
    %get3A_186 = tpu.vector_load %arg7[%get3A_185] {strides = array<i32>} : memref<512xi32, #tpu.memory_space<vmem>>, vector<16xi32>,
    %get3A_187 = vector.shape_cast %get3A_186 : vector<16xi32> to vector<16xi32>
    %get3A_188 = arith.constant 176 : index
    %get3A_189 = tpu.vector_load %arg8[%get3A_188] {strides = array<i32>} : memref<512xi32, #tpu.memory_space<vmem>>, vector<16xi32>,
    %get3A_190 = vector.shape_cast %get3A_189 : vector<16xi32> to vector<16xi32>
    %mul3A_191 = arith.constant 3 : i32
    %mul3A_192 = vector.broadcast %mul3A_191 : i32 to vector<16xi32>
    %mul3A_193 = arith.muli %get3A_187, %mul3A_192 : vector<16xi32>
    %add3A_194 = arith.addi %mul3A_193, %get3A_190 : vector<16xi32>
    %swap3A_195 = arith.constant 1 : i32
    %swap3A_196 = arith.index_cast %swap3A_195 : i32 to index
    %swap3A_197 = arith.constant 48 : index
    %swap3A_198 = tpu.vector_load %arg9[%swap3A_196, %swap3A_197] {strides = array<i32>} : memref<4x128xi32, #tpu.memory_space<vmem>>, vector<1x16xi32>,
    %swap3A_199 = vector.shape_cast %swap3A_198 : vector<1x16xi32> to vector<16xi32>
    %swap3A_200 = vector.shape_cast %add3A_194 : vector<16xi32> to vector<1x16xi32>
    tpu.vector_store %arg9[%swap3A_196, %swap3A_197], %swap3A_200 {strides = array<i32>} : memref<4x128xi32, #tpu.memory_space<vmem>>, vector<1x16xi32>,
    %get3A_201 = arith.constant 192 : index
    %get3A_202 = tpu.vector_load %arg7[%get3A_201] {strides = array<i32>} : memref<512xi32, #tpu.memory_space<vmem>>, vector<16xi32>,
    %get3A_203 = vector.shape_cast %get3A_202 : vector<16xi32> to vector<16xi32>
    %get3A_204 = arith.constant 192 : index
    %get3A_205 = tpu.vector_load %arg8[%get3A_204] {strides = array<i32>} : memref<512xi32, #tpu.memory_space<vmem>>, vector<16xi32>,
    %get3A_206 = vector.shape_cast %get3A_205 : vector<16xi32> to vector<16xi32>
    %mul3A_207 = arith.constant 3 : i32
    %mul3A_208 = vector.broadcast %mul3A_207 : i32 to vector<16xi32>
    %mul3A_209 = arith.muli %get3A_203, %mul3A_208 : vector<16xi32>
    %add3A_210 = arith.addi %mul3A_209, %get3A_206 : vector<16xi32>
    %swap3A_211 = arith.constant 1 : i32
    %swap3A_212 = arith.index_cast %swap3A_211 : i32 to index
    %swap3A_213 = arith.constant 64 : index
    %swap3A_214 = tpu.vector_load %arg9[%swap3A_212, %swap3A_213] {strides = array<i32>} : memref<4x128xi32, #tpu.memory_space<vmem>>, vector<1x16xi32>,
    %swap3A_215 = vector.shape_cast %swap3A_214 : vector<1x16xi32> to vector<16xi32>
    %swap3A_216 = vector.shape_cast %add3A_210 : vector<16xi32> to vector<1x16xi32>
    tpu.vector_store %arg9[%swap3A_212, %swap3A_213], %swap3A_216 {strides = array<i32>} : memref<4x128xi32, #tpu.memory_space<vmem>>, vector<1x16xi32>,
    %get3A_217 = arith.constant 208 : index
    %get3A_218 = tpu.vector_load %arg7[%get3A_217] {strides = array<i32>} : memref<512xi32, #tpu.memory_space<vmem>>, vector<16xi32>,
    %get3A_219 = vector.shape_cast %get3A_218 : vector<16xi32> to vector<16xi32>
    %get3A_220 = arith.constant 208 : index
    %get3A_221 = tpu.vector_load %arg8[%get3A_220] {strides = array<i32>} : memref<512xi32, #tpu.memory_space<vmem>>, vector<16xi32>,
    %get3A_222 = vector.shape_cast %get3A_221 : vector<16xi32> to vector<16xi32>
    %mul3A_223 = arith.constant 3 : i32
    %mul3A_224 = vector.broadcast %mul3A_223 : i32 to vector<16xi32>
    %mul3A_225 = arith.muli %get3A_219, %mul3A_224 : vector<16xi32>
    %add3A_226 = arith.addi %mul3A_225, %get3A_222 : vector<16xi32>
    %swap3A_227 = arith.constant 1 : i32
    %swap3A_228 = arith.index_cast %swap3A_227 : i32 to index
    %swap3A_229 = arith.constant 80 : index
    %swap3A_230 = tpu.vector_load %arg9[%swap3A_228, %swap3A_229] {strides = array<i32>} : memref<4x128xi32, #tpu.memory_space<vmem>>, vector<1x16xi32>,
    %swap3A_231 = vector.shape_cast %swap3A_230 : vector<1x16xi32> to vector<16xi32>
    %swap3A_232 = vector.shape_cast %add3A_226 : vector<16xi32> to vector<1x16xi32>
    tpu.vector_store %arg9[%swap3A_228, %swap3A_229], %swap3A_232 {strides = array<i32>} : memref<4x128xi32, #tpu.memory_space<vmem>>, vector<1x16xi32>,
    %get3A_233 = arith.constant 224 : index
    %get3A_234 = tpu.vector_load %arg7[%get3A_233] {strides = array<i32>} : memref<512xi32, #tpu.memory_space<vmem>>, vector<16xi32>,
    %get3A_235 = vector.shape_cast %get3A_234 : vector<16xi32> to vector<16xi32>
    %get3A_236 = arith.constant 224 : index
    %get3A_237 = tpu.vector_load %arg8[%get3A_236] {strides = array<i32>} : memref<512xi32, #tpu.memory_space<vmem>>, vector<16xi32>,
    %get3A_238 = vector.shape_cast %get3A_237 : vector<16xi32> to vector<16xi32>
    %mul3A_239 = arith.constant 3 : i32
    %mul3A_240 = vector.broadcast %mul3A_239 : i32 to vector<16xi32>
    %mul3A_241 = arith.muli %get3A_235, %mul3A_240 : vector<16xi32>
    %add3A_242 = arith.addi %mul3A_241, %get3A_238 : vector<16xi32>
    %swap3A_243 = arith.constant 1 : i32
    %swap3A_244 = arith.index_cast %swap3A_243 : i32 to index
    %swap3A_245 = arith.constant 96 : index
    %swap3A_246 = tpu.vector_load %arg9[%swap3A_244, %swap3A_245] {strides = array<i32>} : memref<4x128xi32, #tpu.memory_space<vmem>>, vector<1x16xi32>,
    %swap3A_247 = vector.shape_cast %swap3A_246 : vector<1x16xi32> to vector<16xi32>
    %swap3A_248 = vector.shape_cast %add3A_242 : vector<16xi32> to vector<1x16xi32>
    tpu.vector_store %arg9[%swap3A_244, %swap3A_245], %swap3A_248 {strides = array<i32>} : memref<4x128xi32, #tpu.memory_space<vmem>>, vector<1x16xi32>,
    %get3A_249 = arith.constant 240 : index
    %get3A_250 = tpu.vector_load %arg7[%get3A_249] {strides = array<i32>} : memref<512xi32, #tpu.memory_space<vmem>>, vector<16xi32>,
    %get3A_251 = vector.shape_cast %get3A_250 : vector<16xi32> to vector<16xi32>
    %get3A_252 = arith.constant 240 : index
    %get3A_253 = tpu.vector_load %arg8[%get3A_252] {strides = array<i32>} : memref<512xi32, #tpu.memory_space<vmem>>, vector<16xi32>,
    %get3A_254 = vector.shape_cast %get3A_253 : vector<16xi32> to vector<16xi32>
    %mul3A_255 = arith.constant 3 : i32
    %mul3A_256 = vector.broadcast %mul3A_255 : i32 to vector<16xi32>
    %mul3A_257 = arith.muli %get3A_251, %mul3A_256 : vector<16xi32>
    %add3A_258 = arith.addi %mul3A_257, %get3A_254 : vector<16xi32>
    %swap3A_259 = arith.constant 1 : i32
    %swap3A_260 = arith.index_cast %swap3A_259 : i32 to index
    %swap3A_261 = arith.constant 112 : index
    %swap3A_262 = tpu.vector_load %arg9[%swap3A_260, %swap3A_261] {strides = array<i32>} : memref<4x128xi32, #tpu.memory_space<vmem>>, vector<1x16xi32>,
    %swap3A_263 = vector.shape_cast %swap3A_262 : vector<1x16xi32> to vector<16xi32>
    %swap3A_264 = vector.shape_cast %add3A_258 : vector<16xi32> to vector<1x16xi32>
    tpu.vector_store %arg9[%swap3A_260, %swap3A_261], %swap3A_264 {strides = array<i32>} : memref<4x128xi32, #tpu.memory_space<vmem>>, vector<1x16xi32>,
    %get3A_265 = arith.constant 256 : index
    %get3A_266 = tpu.vector_load %arg7[%get3A_265] {strides = array<i32>} : memref<512xi32, #tpu.memory_space<vmem>>, vector<16xi32>,
    %get3A_267 = vector.shape_cast %get3A_266 : vector<16xi32> to vector<16xi32>
    %get3A_268 = arith.constant 256 : index
    %get3A_269 = tpu.vector_load %arg8[%get3A_268] {strides = array<i32>} : memref<512xi32, #tpu.memory_space<vmem>>, vector<16xi32>,
    %get3A_270 = vector.shape_cast %get3A_269 : vector<16xi32> to vector<16xi32>
    %mul3A_271 = arith.constant 3 : i32
    %mul3A_272 = vector.broadcast %mul3A_271 : i32 to vector<16xi32>
    %mul3A_273 = arith.muli %get3A_267, %mul3A_272 : vector<16xi32>
    %add3A_274 = arith.addi %mul3A_273, %get3A_270 : vector<16xi32>
    %swap3A_275 = arith.constant 2 : i32
    %swap3A_276 = arith.index_cast %swap3A_275 : i32 to index
    %swap3A_277 = arith.constant 0 : index
    %swap3A_278 = tpu.vector_load %arg9[%swap3A_276, %swap3A_277] {strides = array<i32>} : memref<4x128xi32, #tpu.memory_space<vmem>>, vector<1x16xi32>,
    %swap3A_279 = vector.shape_cast %swap3A_278 : vector<1x16xi32> to vector<16xi32>
    %swap3A_280 = vector.shape_cast %add3A_274 : vector<16xi32> to vector<1x16xi32>
    tpu.vector_store %arg9[%swap3A_276, %swap3A_277], %swap3A_280 {strides = array<i32>} : memref<4x128xi32, #tpu.memory_space<vmem>>, vector<1x16xi32>,
    %get3A_281 = arith.constant 272 : index
    %get3A_282 = tpu.vector_load %arg7[%get3A_281] {strides = array<i32>} : memref<512xi32, #tpu.memory_space<vmem>>, vector<16xi32>,
    %get3A_283 = vector.shape_cast %get3A_282 : vector<16xi32> to vector<16xi32>
    %get3A_284 = arith.constant 272 : index
    %get3A_285 = tpu.vector_load %arg8[%get3A_284] {strides = array<i32>} : memref<512xi32, #tpu.memory_space<vmem>>, vector<16xi32>,
    %get3A_286 = vector.shape_cast %get3A_285 : vector<16xi32> to vector<16xi32>
    %mul3A_287 = arith.constant 3 : i32
    %mul3A_288 = vector.broadcast %mul3A_287 : i32 to vector<16xi32>
    %mul3A_289 = arith.muli %get3A_283, %mul3A_288 : vector<16xi32>
    %add3A_290 = arith.addi %mul3A_289, %get3A_286 : vector<16xi32>
    %swap3A_291 = arith.constant 2 : i32
    %swap3A_292 = arith.index_cast %swap3A_291 : i32 to index
    %swap3A_293 = arith.constant 16 : index
    %swap3A_294 = tpu.vector_load %arg9[%swap3A_292, %swap3A_293] {strides = array<i32>} : memref<4x128xi32, #tpu.memory_space<vmem>>, vector<1x16xi32>,
    %swap3A_295 = vector.shape_cast %swap3A_294 : vector<1x16xi32> to vector<16xi32>
    %swap3A_296 = vector.shape_cast %add3A_290 : vector<16xi32> to vector<1x16xi32>
    tpu.vector_store %arg9[%swap3A_292, %swap3A_293], %swap3A_296 {strides = array<i32>} : memref<4x128xi32, #tpu.memory_space<vmem>>, vector<1x16xi32>,
    %get3A_297 = arith.constant 288 : index
    %get3A_298 = tpu.vector_load %arg7[%get3A_297] {strides = array<i32>} : memref<512xi32, #tpu.memory_space<vmem>>, vector<16xi32>,
    %get3A_299 = vector.shape_cast %get3A_298 : vector<16xi32> to vector<16xi32>
    %get3A_300 = arith.constant 288 : index
    %get3A_301 = tpu.vector_load %arg8[%get3A_300] {strides = array<i32>} : memref<512xi32, #tpu.memory_space<vmem>>, vector<16xi32>,
    %get3A_302 = vector.shape_cast %get3A_301 : vector<16xi32> to vector<16xi32>
    %mul3A_303 = arith.constant 3 : i32
    %mul3A_304 = vector.broadcast %mul3A_303 : i32 to vector<16xi32>
    %mul3A_305 = arith.muli %get3A_299, %mul3A_304 : vector<16xi32>
    %add3A_306 = arith.addi %mul3A_305, %get3A_302 : vector<16xi32>
    %swap3A_307 = arith.constant 2 : i32
    %swap3A_308 = arith.index_cast %swap3A_307 : i32 to index
    %swap3A_309 = arith.constant 32 : index
    %swap3A_310 = tpu.vector_load %arg9[%swap3A_308, %swap3A_309] {strides = array<i32>} : memref<4x128xi32, #tpu.memory_space<vmem>>, vector<1x16xi32>,
    %swap3A_311 = vector.shape_cast %swap3A_310 : vector<1x16xi32> to vector<16xi32>
    %swap3A_312 = vector.shape_cast %add3A_306 : vector<16xi32> to vector<1x16xi32>
    tpu.vector_store %arg9[%swap3A_308, %swap3A_309], %swap3A_312 {strides = array<i32>} : memref<4x128xi32, #tpu.memory_space<vmem>>, vector<1x16xi32>,
    %get3A_313 = arith.constant 304 : index
    %get3A_314 = tpu.vector_load %arg7[%get3A_313] {strides = array<i32>} : memref<512xi32, #tpu.memory_space<vmem>>, vector<16xi32>,
    %get3A_315 = vector.shape_cast %get3A_314 : vector<16xi32> to vector<16xi32>
    %get3A_316 = arith.constant 304 : index
    %get3A_317 = tpu.vector_load %arg8[%get3A_316] {strides = array<i32>} : memref<512xi32, #tpu.memory_space<vmem>>, vector<16xi32>,
    %get3A_318 = vector.shape_cast %get3A_317 : vector<16xi32> to vector<16xi32>
    %mul3A_319 = arith.constant 3 : i32
    %mul3A_320 = vector.broadcast %mul3A_319 : i32 to vector<16xi32>
    %mul3A_321 = arith.muli %get3A_315, %mul3A_320 : vector<16xi32>
    %add3A_322 = arith.addi %mul3A_321, %get3A_318 : vector<16xi32>
    %swap3A_323 = arith.constant 2 : i32
    %swap3A_324 = arith.index_cast %swap3A_323 : i32 to index
    %swap3A_325 = arith.constant 48 : index
    %swap3A_326 = tpu.vector_load %arg9[%swap3A_324, %swap3A_325] {strides = array<i32>} : memref<4x128xi32, #tpu.memory_space<vmem>>, vector<1x16xi32>,
    %swap3A_327 = vector.shape_cast %swap3A_326 : vector<1x16xi32> to vector<16xi32>
    %swap3A_328 = vector.shape_cast %add3A_322 : vector<16xi32> to vector<1x16xi32>
    tpu.vector_store %arg9[%swap3A_324, %swap3A_325], %swap3A_328 {strides = array<i32>} : memref<4x128xi32, #tpu.memory_space<vmem>>, vector<1x16xi32>,
    %get3A_329 = arith.constant 320 : index
    %get3A_330 = tpu.vector_load %arg7[%get3A_329] {strides = array<i32>} : memref<512xi32, #tpu.memory_space<vmem>>, vector<16xi32>,
    %get3A_331 = vector.shape_cast %get3A_330 : vector<16xi32> to vector<16xi32>
    %get3A_332 = arith.constant 320 : index
    %get3A_333 = tpu.vector_load %arg8[%get3A_332] {strides = array<i32>} : memref<512xi32, #tpu.memory_space<vmem>>, vector<16xi32>,
    %get3A_334 = vector.shape_cast %get3A_333 : vector<16xi32> to vector<16xi32>
    %mul3A_335 = arith.constant 3 : i32
    %mul3A_336 = vector.broadcast %mul3A_335 : i32 to vector<16xi32>
    %mul3A_337 = arith.muli %get3A_331, %mul3A_336 : vector<16xi32>
    %add3A_338 = arith.addi %mul3A_337, %get3A_334 : vector<16xi32>
    %swap3A_339 = arith.constant 2 : i32
    %swap3A_340 = arith.index_cast %swap3A_339 : i32 to index
    %swap3A_341 = arith.constant 64 : index
    %swap3A_342 = tpu.vector_load %arg9[%swap3A_340, %swap3A_341] {strides = array<i32>} : memref<4x128xi32, #tpu.memory_space<vmem>>, vector<1x16xi32>,
    %swap3A_343 = vector.shape_cast %swap3A_342 : vector<1x16xi32> to vector<16xi32>
    %swap3A_344 = vector.shape_cast %add3A_338 : vector<16xi32> to vector<1x16xi32>
    tpu.vector_store %arg9[%swap3A_340, %swap3A_341], %swap3A_344 {strides = array<i32>} : memref<4x128xi32, #tpu.memory_space<vmem>>, vector<1x16xi32>,
    %get3A_345 = arith.constant 336 : index
    %get3A_346 = tpu.vector_load %arg7[%get3A_345] {strides = array<i32>} : memref<512xi32, #tpu.memory_space<vmem>>, vector<16xi32>,
    %get3A_347 = vector.shape_cast %get3A_346 : vector<16xi32> to vector<16xi32>
    %get3A_348 = arith.constant 336 : index
    %get3A_349 = tpu.vector_load %arg8[%get3A_348] {strides = array<i32>} : memref<512xi32, #tpu.memory_space<vmem>>, vector<16xi32>,
    %get3A_350 = vector.shape_cast %get3A_349 : vector<16xi32> to vector<16xi32>
    %mul3A_351 = arith.constant 3 : i32
    %mul3A_352 = vector.broadcast %mul3A_351 : i32 to vector<16xi32>
    %mul3A_353 = arith.muli %get3A_347, %mul3A_352 : vector<16xi32>
    %add3A_354 = arith.addi %mul3A_353, %get3A_350 : vector<16xi32>
    %swap3A_355 = arith.constant 2 : i32
    %swap3A_356 = arith.index_cast %swap3A_355 : i32 to index
    %swap3A_357 = arith.constant 80 : index
    %swap3A_358 = tpu.vector_load %arg9[%swap3A_356, %swap3A_357] {strides = array<i32>} : memref<4x128xi32, #tpu.memory_space<vmem>>, vector<1x16xi32>,
    %swap3A_359 = vector.shape_cast %swap3A_358 : vector<1x16xi32> to vector<16xi32>
    %swap3A_360 = vector.shape_cast %add3A_354 : vector<16xi32> to vector<1x16xi32>
    tpu.vector_store %arg9[%swap3A_356, %swap3A_357], %swap3A_360 {strides = array<i32>} : memref<4x128xi32, #tpu.memory_space<vmem>>, vector<1x16xi32>,
    %get3A_361 = arith.constant 352 : index
    %get3A_362 = tpu.vector_load %arg7[%get3A_361] {strides = array<i32>} : memref<512xi32, #tpu.memory_space<vmem>>, vector<16xi32>,
    %get3A_363 = vector.shape_cast %get3A_362 : vector<16xi32> to vector<16xi32>
    %get3A_364 = arith.constant 352 : index
    %get3A_365 = tpu.vector_load %arg8[%get3A_364] {strides = array<i32>} : memref<512xi32, #tpu.memory_space<vmem>>, vector<16xi32>,
    %get3A_366 = vector.shape_cast %get3A_365 : vector<16xi32> to vector<16xi32>
    %mul3A_367 = arith.constant 3 : i32
    %mul3A_368 = vector.broadcast %mul3A_367 : i32 to vector<16xi32>
    %mul3A_369 = arith.muli %get3A_363, %mul3A_368 : vector<16xi32>
    %add3A_370 = arith.addi %mul3A_369, %get3A_366 : vector<16xi32>
    %swap3A_371 = arith.constant 2 : i32
    %swap3A_372 = arith.index_cast %swap3A_371 : i32 to index
    %swap3A_373 = arith.constant 96 : index
    %swap3A_374 = tpu.vector_load %arg9[%swap3A_372, %swap3A_373] {strides = array<i32>} : memref<4x128xi32, #tpu.memory_space<vmem>>, vector<1x16xi32>,
    %swap3A_375 = vector.shape_cast %swap3A_374 : vector<1x16xi32> to vector<16xi32>
    %swap3A_376 = vector.shape_cast %add3A_370 : vector<16xi32> to vector<1x16xi32>
    tpu.vector_store %arg9[%swap3A_372, %swap3A_373], %swap3A_376 {strides = array<i32>} : memref<4x128xi32, #tpu.memory_space<vmem>>, vector<1x16xi32>,
    %get3A_377 = arith.constant 368 : index
    %get3A_378 = tpu.vector_load %arg7[%get3A_377] {strides = array<i32>} : memref<512xi32, #tpu.memory_space<vmem>>, vector<16xi32>,
    %get3A_379 = vector.shape_cast %get3A_378 : vector<16xi32> to vector<16xi32>
    %get3A_380 = arith.constant 368 : index
    %get3A_381 = tpu.vector_load %arg8[%get3A_380] {strides = array<i32>} : memref<512xi32, #tpu.memory_space<vmem>>, vector<16xi32>,
    %get3A_382 = vector.shape_cast %get3A_381 : vector<16xi32> to vector<16xi32>
    %mul3A_383 = arith.constant 3 : i32
    %mul3A_384 = vector.broadcast %mul3A_383 : i32 to vector<16xi32>
    %mul3A_385 = arith.muli %get3A_379, %mul3A_384 : vector<16xi32>
    %add3A_386 = arith.addi %mul3A_385, %get3A_382 : vector<16xi32>
    %swap3A_387 = arith.constant 2 : i32
    %swap3A_388 = arith.index_cast %swap3A_387 : i32 to index
    %swap3A_389 = arith.constant 112 : index
    %swap3A_390 = tpu.vector_load %arg9[%swap3A_388, %swap3A_389] {strides = array<i32>} : memref<4x128xi32, #tpu.memory_space<vmem>>, vector<1x16xi32>,
    %swap3A_391 = vector.shape_cast %swap3A_390 : vector<1x16xi32> to vector<16xi32>
    %swap3A_392 = vector.shape_cast %add3A_386 : vector<16xi32> to vector<1x16xi32>
    tpu.vector_store %arg9[%swap3A_388, %swap3A_389], %swap3A_392 {strides = array<i32>} : memref<4x128xi32, #tpu.memory_space<vmem>>, vector<1x16xi32>,
    %get3A_393 = arith.constant 384 : index
    %get3A_394 = tpu.vector_load %arg7[%get3A_393] {strides = array<i32>} : memref<512xi32, #tpu.memory_space<vmem>>, vector<16xi32>,
    %get3A_395 = vector.shape_cast %get3A_394 : vector<16xi32> to vector<16xi32>
    %get3A_396 = arith.constant 384 : index
    %get3A_397 = tpu.vector_load %arg8[%get3A_396] {strides = array<i32>} : memref<512xi32, #tpu.memory_space<vmem>>, vector<16xi32>,
    %get3A_398 = vector.shape_cast %get3A_397 : vector<16xi32> to vector<16xi32>
    %mul3A_399 = arith.constant 3 : i32
    %mul3A_400 = vector.broadcast %mul3A_399 : i32 to vector<16xi32>
    %mul3A_401 = arith.muli %get3A_395, %mul3A_400 : vector<16xi32>
    %add3A_402 = arith.addi %mul3A_401, %get3A_398 : vector<16xi32>
    %swap3A_403 = arith.constant 3 : i32
    %swap3A_404 = arith.index_cast %swap3A_403 : i32 to index
    %swap3A_405 = arith.constant 0 : index
    %swap3A_406 = tpu.vector_load %arg9[%swap3A_404, %swap3A_405] {strides = array<i32>} : memref<4x128xi32, #tpu.memory_space<vmem>>, vector<1x16xi32>,
    %swap3A_407 = vector.shape_cast %swap3A_406 : vector<1x16xi32> to vector<16xi32>
    %swap3A_408 = vector.shape_cast %add3A_402 : vector<16xi32> to vector<1x16xi32>
    tpu.vector_store %arg9[%swap3A_404, %swap3A_405], %swap3A_408 {strides = array<i32>} : memref<4x128xi32, #tpu.memory_space<vmem>>, vector<1x16xi32>,
    %get3A_409 = arith.constant 400 : index
    %get3A_410 = tpu.vector_load %arg7[%get3A_409] {strides = array<i32>} : memref<512xi32, #tpu.memory_space<vmem>>, vector<16xi32>,
    %get3A_411 = vector.shape_cast %get3A_410 : vector<16xi32> to vector<16xi32>
    %get3A_412 = arith.constant 400 : index
    %get3A_413 = tpu.vector_load %arg8[%get3A_412] {strides = array<i32>} : memref<512xi32, #tpu.memory_space<vmem>>, vector<16xi32>,
    %get3A_414 = vector.shape_cast %get3A_413 : vector<16xi32> to vector<16xi32>
    %mul3A_415 = arith.constant 3 : i32
    %mul3A_416 = vector.broadcast %mul3A_415 : i32 to vector<16xi32>
    %mul3A_417 = arith.muli %get3A_411, %mul3A_416 : vector<16xi32>
    %add3A_418 = arith.addi %mul3A_417, %get3A_414 : vector<16xi32>
    %swap3A_419 = arith.constant 3 : i32
    %swap3A_420 = arith.index_cast %swap3A_419 : i32 to index
    %swap3A_421 = arith.constant 16 : index
    %swap3A_422 = tpu.vector_load %arg9[%swap3A_420, %swap3A_421] {strides = array<i32>} : memref<4x128xi32, #tpu.memory_space<vmem>>, vector<1x16xi32>,
    %swap3A_423 = vector.shape_cast %swap3A_422 : vector<1x16xi32> to vector<16xi32>
    %swap3A_424 = vector.shape_cast %add3A_418 : vector<16xi32> to vector<1x16xi32>
    tpu.vector_store %arg9[%swap3A_420, %swap3A_421], %swap3A_424 {strides = array<i32>} : memref<4x128xi32, #tpu.memory_space<vmem>>, vector<1x16xi32>,
    %get3A_425 = arith.constant 416 : index
    %get3A_426 = tpu.vector_load %arg7[%get3A_425] {strides = array<i32>} : memref<512xi32, #tpu.memory_space<vmem>>, vector<16xi32>,
    %get3A_427 = vector.shape_cast %get3A_426 : vector<16xi32> to vector<16xi32>
    %get3A_428 = arith.constant 416 : index
    %get3A_429 = tpu.vector_load %arg8[%get3A_428] {strides = array<i32>} : memref<512xi32, #tpu.memory_space<vmem>>, vector<16xi32>,
    %get3A_430 = vector.shape_cast %get3A_429 : vector<16xi32> to vector<16xi32>
    %mul3A_431 = arith.constant 3 : i32
    %mul3A_432 = vector.broadcast %mul3A_431 : i32 to vector<16xi32>
    %mul3A_433 = arith.muli %get3A_427, %mul3A_432 : vector<16xi32>
    %add3A_434 = arith.addi %mul3A_433, %get3A_430 : vector<16xi32>
    %swap3A_435 = arith.constant 3 : i32
    %swap3A_436 = arith.index_cast %swap3A_435 : i32 to index
    %swap3A_437 = arith.constant 32 : index
    %swap3A_438 = tpu.vector_load %arg9[%swap3A_436, %swap3A_437] {strides = array<i32>} : memref<4x128xi32, #tpu.memory_space<vmem>>, vector<1x16xi32>,
    %swap3A_439 = vector.shape_cast %swap3A_438 : vector<1x16xi32> to vector<16xi32>
    %swap3A_440 = vector.shape_cast %add3A_434 : vector<16xi32> to vector<1x16xi32>
    tpu.vector_store %arg9[%swap3A_436, %swap3A_437], %swap3A_440 {strides = array<i32>} : memref<4x128xi32, #tpu.memory_space<vmem>>, vector<1x16xi32>,
    %get3A_441 = arith.constant 432 : index
    %get3A_442 = tpu.vector_load %arg7[%get3A_441] {strides = array<i32>} : memref<512xi32, #tpu.memory_space<vmem>>, vector<16xi32>,
    %get3A_443 = vector.shape_cast %get3A_442 : vector<16xi32> to vector<16xi32>
    %get3A_444 = arith.constant 432 : index
    %get3A_445 = tpu.vector_load %arg8[%get3A_444] {strides = array<i32>} : memref<512xi32, #tpu.memory_space<vmem>>, vector<16xi32>,
    %get3A_446 = vector.shape_cast %get3A_445 : vector<16xi32> to vector<16xi32>
    %mul3A_447 = arith.constant 3 : i32
    %mul3A_448 = vector.broadcast %mul3A_447 : i32 to vector<16xi32>
    %mul3A_449 = arith.muli %get3A_443, %mul3A_448 : vector<16xi32>
    %add3A_450 = arith.addi %mul3A_449, %get3A_446 : vector<16xi32>
    %swap3A_451 = arith.constant 3 : i32
    %swap3A_452 = arith.index_cast %swap3A_451 : i32 to index
    %swap3A_453 = arith.constant 48 : index
    %swap3A_454 = tpu.vector_load %arg9[%swap3A_452, %swap3A_453] {strides = array<i32>} : memref<4x128xi32, #tpu.memory_space<vmem>>, vector<1x16xi32>,
    %swap3A_455 = vector.shape_cast %swap3A_454 : vector<1x16xi32> to vector<16xi32>
    %swap3A_456 = vector.shape_cast %add3A_450 : vector<16xi32> to vector<1x16xi32>
    tpu.vector_store %arg9[%swap3A_452, %swap3A_453], %swap3A_456 {strides = array<i32>} : memref<4x128xi32, #tpu.memory_space<vmem>>, vector<1x16xi32>,
    %get3A_457 = arith.constant 448 : index
    %get3A_458 = tpu.vector_load %arg7[%get3A_457] {strides = array<i32>} : memref<512xi32, #tpu.memory_space<vmem>>, vector<16xi32>,
    %get3A_459 = vector.shape_cast %get3A_458 : vector<16xi32> to vector<16xi32>
    %get3A_460 = arith.constant 448 : index
    %get3A_461 = tpu.vector_load %arg8[%get3A_460] {strides = array<i32>} : memref<512xi32, #tpu.memory_space<vmem>>, vector<16xi32>,
    %get3A_462 = vector.shape_cast %get3A_461 : vector<16xi32> to vector<16xi32>
    %mul3A_463 = arith.constant 3 : i32
    %mul3A_464 = vector.broadcast %mul3A_463 : i32 to vector<16xi32>
    %mul3A_465 = arith.muli %get3A_459, %mul3A_464 : vector<16xi32>
    %add3A_466 = arith.addi %mul3A_465, %get3A_462 : vector<16xi32>
    %swap3A_467 = arith.constant 3 : i32
    %swap3A_468 = arith.index_cast %swap3A_467 : i32 to index
    %swap3A_469 = arith.constant 64 : index
    %swap3A_470 = tpu.vector_load %arg9[%swap3A_468, %swap3A_469] {strides = array<i32>} : memref<4x128xi32, #tpu.memory_space<vmem>>, vector<1x16xi32>,
    %swap3A_471 = vector.shape_cast %swap3A_470 : vector<1x16xi32> to vector<16xi32>
    %swap3A_472 = vector.shape_cast %add3A_466 : vector<16xi32> to vector<1x16xi32>
    tpu.vector_store %arg9[%swap3A_468, %swap3A_469], %swap3A_472 {strides = array<i32>} : memref<4x128xi32, #tpu.memory_space<vmem>>, vector<1x16xi32>,
    %get3A_473 = arith.constant 464 : index
    %get3A_474 = tpu.vector_load %arg7[%get3A_473] {strides = array<i32>} : memref<512xi32, #tpu.memory_space<vmem>>, vector<16xi32>,
    %get3A_475 = vector.shape_cast %get3A_474 : vector<16xi32> to vector<16xi32>
    %get3A_476 = arith.constant 464 : index
    %get3A_477 = tpu.vector_load %arg8[%get3A_476] {strides = array<i32>} : memref<512xi32, #tpu.memory_space<vmem>>, vector<16xi32>,
    %get3A_478 = vector.shape_cast %get3A_477 : vector<16xi32> to vector<16xi32>
    %mul3A_479 = arith.constant 3 : i32
    %mul3A_480 = vector.broadcast %mul3A_479 : i32 to vector<16xi32>
    %mul3A_481 = arith.muli %get3A_475, %mul3A_480 : vector<16xi32>
    %add3A_482 = arith.addi %mul3A_481, %get3A_478 : vector<16xi32>
    %swap3A_483 = arith.constant 3 : i32
    %swap3A_484 = arith.index_cast %swap3A_483 : i32 to index
    %swap3A_485 = arith.constant 80 : index
    %swap3A_486 = tpu.vector_load %arg9[%swap3A_484, %swap3A_485] {strides = array<i32>} : memref<4x128xi32, #tpu.memory_space<vmem>>, vector<1x16xi32>,
    %swap3A_487 = vector.shape_cast %swap3A_486 : vector<1x16xi32> to vector<16xi32>
    %swap3A_488 = vector.shape_cast %add3A_482 : vector<16xi32> to vector<1x16xi32>
    tpu.vector_store %arg9[%swap3A_484, %swap3A_485], %swap3A_488 {strides = array<i32>} : memref<4x128xi32, #tpu.memory_space<vmem>>, vector<1x16xi32>,
    %get3A_489 = arith.constant 480 : index
    %get3A_490 = tpu.vector_load %arg7[%get3A_489] {strides = array<i32>} : memref<512xi32, #tpu.memory_space<vmem>>, vector<16xi32>,
    %get3A_491 = vector.shape_cast %get3A_490 : vector<16xi32> to vector<16xi32>
    %get3A_492 = arith.constant 480 : index
    %get3A_493 = tpu.vector_load %arg8[%get3A_492] {strides = array<i32>} : memref<512xi32, #tpu.memory_space<vmem>>, vector<16xi32>,
    %get3A_494 = vector.shape_cast %get3A_493 : vector<16xi32> to vector<16xi32>
    %mul3A_495 = arith.constant 3 : i32
    %mul3A_496 = vector.broadcast %mul3A_495 : i32 to vector<16xi32>
    %mul3A_497 = arith.muli %get3A_491, %mul3A_496 : vector<16xi32>
    %add3A_498 = arith.addi %mul3A_497, %get3A_494 : vector<16xi32>
    %swap3A_499 = arith.constant 3 : i32
    %swap3A_500 = arith.index_cast %swap3A_499 : i32 to index
    %swap3A_501 = arith.constant 96 : index
    %swap3A_502 = tpu.vector_load %arg9[%swap3A_500, %swap3A_501] {strides = array<i32>} : memref<4x128xi32, #tpu.memory_space<vmem>>, vector<1x16xi32>,
    %swap3A_503 = vector.shape_cast %swap3A_502 : vector<1x16xi32> to vector<16xi32>
    %swap3A_504 = vector.shape_cast %add3A_498 : vector<16xi32> to vector<1x16xi32>
    tpu.vector_store %arg9[%swap3A_500, %swap3A_501], %swap3A_504 {strides = array<i32>} : memref<4x128xi32, #tpu.memory_space<vmem>>, vector<1x16xi32>,
    %get3A_505 = arith.constant 496 : index
    %get3A_506 = tpu.vector_load %arg7[%get3A_505] {strides = array<i32>} : memref<512xi32, #tpu.memory_space<vmem>>, vector<16xi32>,
    %get3A_507 = vector.shape_cast %get3A_506 : vector<16xi32> to vector<16xi32>
    %get3A_508 = arith.constant 496 : index
    %get3A_509 = tpu.vector_load %arg8[%get3A_508] {strides = array<i32>} : memref<512xi32, #tpu.memory_space<vmem>>, vector<16xi32>,
    %get3A_510 = vector.shape_cast %get3A_509 : vector<16xi32> to vector<16xi32>
    %mul3A_511 = arith.constant 3 : i32
    %mul3A_512 = vector.broadcast %mul3A_511 : i32 to vector<16xi32>
    %mul3A_513 = arith.muli %get3A_507, %mul3A_512 : vector<16xi32>
    %add3A_514 = arith.addi %mul3A_513, %get3A_510 : vector<16xi32>
    %swap3A_515 = arith.constant 3 : i32
    %swap3A_516 = arith.index_cast %swap3A_515 : i32 to index
    %swap3A_517 = arith.constant 112 : index
    %swap3A_518 = tpu.vector_load %arg9[%swap3A_516, %swap3A_517] {strides = array<i32>} : memref<4x128xi32, #tpu.memory_space<vmem>>, vector<1x16xi32>,
    %swap3A_519 = vector.shape_cast %swap3A_518 : vector<1x16xi32> to vector<16xi32>
    %swap3A_520 = vector.shape_cast %add3A_514 : vector<16xi32> to vector<1x16xi32>
    tpu.vector_store %arg9[%swap3A_516, %swap3A_517], %swap3A_520 {strides = array<i32>} : memref<4x128xi32, #tpu.memory_space<vmem>>, vector<1x16xi32>,
    %barrier3A = arith.constant 0 : index
    tpu.barrier barrier_id(%barrier3A)
    %dma_start3A_521 = arith.constant 0 : i32
    %dma_start3A_522 = arith.constant 0 : i32
    %dma_start3A_523 = arith.constant 0 : i32
    %dma_start3A_524 = tpu.memref_slice %arg14[%dma_start3A_522, %dma_start3A_523] : memref<512x128xf32, #tpu.memory_space<vmem>> -> memref<128x128xf32, #tpu.memory_space<vmem>>
    %dma_start3A_525 = arith.constant 0 : i32
    %dma_start3A_526 = tpu.memref_slice %arg9[%dma_start3A_521, %dma_start3A_525] : memref<4x128xi32, #tpu.memory_space<vmem>> -> memref<1x128xi32, #tpu.memory_space<vmem>>
    %dma_start3A_527 = tpu.memref_squeeze %dma_start3A_526 : memref<1x128xi32, #tpu.memory_space<vmem>> -> memref<128xi32, #tpu.memory_space<vmem>>
    %dma_start3A_528 = arith.constant 0 : i32
    %dma_start3A_529 = arith.constant 0 : i32
    %dma_start3A_530 = tpu.memref_slice %arg13[%dma_start3A_528, %dma_start3A_529] : memref<15x128xf32, #tpu.memory_space<vmem_shared>> -> memref<15x128xf32, #tpu.memory_space<vmem_shared>>
    tpu.enqueue_indirect_dma source(%dma_start3A_530 : memref<15x128xf32, #tpu.memory_space<vmem_shared>>) target(%dma_start3A_524 : memref<128x128xf32, #tpu.memory_space<vmem>>) offsets(%dma_start3A_527 : memref<128xi32, #tpu.memory_space<vmem>>) semaphore(%arg15 : memref<!tpu.dma_semaphore, #tpu.memory_space<semaphore_mem>>)
    %dma_start3A_531 = arith.constant 1 : i32
    %dma_start3A_532 = arith.constant 128 : i32
    %dma_start3A_533 = arith.constant 0 : i32
    %dma_start3A_534 = tpu.memref_slice %arg14[%dma_start3A_532, %dma_start3A_533] : memref<512x128xf32, #tpu.memory_space<vmem>> -> memref<128x128xf32, #tpu.memory_space<vmem>>
    %dma_start3A_535 = arith.constant 0 : i32
    %dma_start3A_536 = tpu.memref_slice %arg9[%dma_start3A_531, %dma_start3A_535] : memref<4x128xi32, #tpu.memory_space<vmem>> -> memref<1x128xi32, #tpu.memory_space<vmem>>
    %dma_start3A_537 = tpu.memref_squeeze %dma_start3A_536 : memref<1x128xi32, #tpu.memory_space<vmem>> -> memref<128xi32, #tpu.memory_space<vmem>>
    %dma_start3A_538 = arith.constant 0 : i32
    %dma_start3A_539 = arith.constant 0 : i32
    %dma_start3A_540 = tpu.memref_slice %arg13[%dma_start3A_538, %dma_start3A_539] : memref<15x128xf32, #tpu.memory_space<vmem_shared>> -> memref<15x128xf32, #tpu.memory_space<vmem_shared>>
    tpu.enqueue_indirect_dma source(%dma_start3A_540 : memref<15x128xf32, #tpu.memory_space<vmem_shared>>) target(%dma_start3A_534 : memref<128x128xf32, #tpu.memory_space<vmem>>) offsets(%dma_start3A_537 : memref<128xi32, #tpu.memory_space<vmem>>) semaphore(%arg15 : memref<!tpu.dma_semaphore, #tpu.memory_space<semaphore_mem>>)
    %dma_start3A_541 = arith.constant 2 : i32
    %dma_start3A_542 = arith.constant 256 : i32
    %dma_start3A_543 = arith.constant 0 : i32
    %dma_start3A_544 = tpu.memref_slice %arg14[%dma_start3A_542, %dma_start3A_543] : memref<512x128xf32, #tpu.memory_space<vmem>> -> memref<128x128xf32, #tpu.memory_space<vmem>>
    %dma_start3A_545 = arith.constant 0 : i32
    %dma_start3A_546 = tpu.memref_slice %arg9[%dma_start3A_541, %dma_start3A_545] : memref<4x128xi32, #tpu.memory_space<vmem>> -> memref<1x128xi32, #tpu.memory_space<vmem>>
    %dma_start3A_547 = tpu.memref_squeeze %dma_start3A_546 : memref<1x128xi32, #tpu.memory_space<vmem>> -> memref<128xi32, #tpu.memory_space<vmem>>
    %dma_start3A_548 = arith.constant 0 : i32
    %dma_start3A_549 = arith.constant 0 : i32
    %dma_start3A_550 = tpu.memref_slice %arg13[%dma_start3A_548, %dma_start3A_549] : memref<15x128xf32, #tpu.memory_space<vmem_shared>> -> memref<15x128xf32, #tpu.memory_space<vmem_shared>>
    tpu.enqueue_indirect_dma source(%dma_start3A_550 : memref<15x128xf32, #tpu.memory_space<vmem_shared>>) target(%dma_start3A_544 : memref<128x128xf32, #tpu.memory_space<vmem>>) offsets(%dma_start3A_547 : memref<128xi32, #tpu.memory_space<vmem>>) semaphore(%arg15 : memref<!tpu.dma_semaphore, #tpu.memory_space<semaphore_mem>>)
    %dma_start3A_551 = arith.constant 3 : i32
    %dma_start3A_552 = arith.constant 384 : i32
    %dma_start3A_553 = arith.constant 0 : i32
    %dma_start3A_554 = tpu.memref_slice %arg14[%dma_start3A_552, %dma_start3A_553] : memref<512x128xf32, #tpu.memory_space<vmem>> -> memref<128x128xf32, #tpu.memory_space<vmem>>
    %dma_start3A_555 = arith.constant 0 : i32
    %dma_start3A_556 = tpu.memref_slice %arg9[%dma_start3A_551, %dma_start3A_555] : memref<4x128xi32, #tpu.memory_space<vmem>> -> memref<1x128xi32, #tpu.memory_space<vmem>>
    %dma_start3A_557 = tpu.memref_squeeze %dma_start3A_556 : memref<1x128xi32, #tpu.memory_space<vmem>> -> memref<128xi32, #tpu.memory_space<vmem>>
    %dma_start3A_558 = arith.constant 0 : i32
    %dma_start3A_559 = arith.constant 0 : i32
    %dma_start3A_560 = tpu.memref_slice %arg13[%dma_start3A_558, %dma_start3A_559] : memref<15x128xf32, #tpu.memory_space<vmem_shared>> -> memref<15x128xf32, #tpu.memory_space<vmem_shared>>
    tpu.enqueue_indirect_dma source(%dma_start3A_560 : memref<15x128xf32, #tpu.memory_space<vmem_shared>>) target(%dma_start3A_554 : memref<128x128xf32, #tpu.memory_space<vmem>>) offsets(%dma_start3A_557 : memref<128xi32, #tpu.memory_space<vmem>>) semaphore(%arg15 : memref<!tpu.dma_semaphore, #tpu.memory_space<semaphore_mem>>)
    %dma_wait3A_561 = arith.constant 0 : i32
    %dma_wait3A_562 = arith.constant 0 : i32
    %dma_wait3A_563 = arith.constant 0 : i32
    %dma_wait3A_564 = tpu.memref_slice %arg14[%dma_wait3A_562, %dma_wait3A_563] : memref<512x128xf32, #tpu.memory_space<vmem>> -> memref<128x128xf32, #tpu.memory_space<vmem>>
    %dma_wait3A_565 = arith.constant 0 : i32
    %dma_wait3A_566 = tpu.memref_slice %arg9[%dma_wait3A_561, %dma_wait3A_565] : memref<4x128xi32, #tpu.memory_space<vmem>> -> memref<1x128xi32, #tpu.memory_space<vmem>>
    %dma_wait3A_567 = tpu.memref_squeeze %dma_wait3A_566 : memref<1x128xi32, #tpu.memory_space<vmem>> -> memref<128xi32, #tpu.memory_space<vmem>>
    %dma_wait3A_568 = arith.constant 0 : i32
    %dma_wait3A_569 = arith.constant 0 : i32
    %dma_wait3A_570 = tpu.memref_slice %arg13[%dma_wait3A_568, %dma_wait3A_569] : memref<15x128xf32, #tpu.memory_space<vmem_shared>> -> memref<15x128xf32, #tpu.memory_space<vmem_shared>>
    tpu.wait_indirect_dma semaphore(%arg15 : memref<!tpu.dma_semaphore, #tpu.memory_space<semaphore_mem>>) src(%dma_wait3A_570 : memref<15x128xf32, #tpu.memory_space<vmem_shared>>) dst(%dma_wait3A_564 : memref<128x128xf32, #tpu.memory_space<vmem>>)
    %add3A_571 = arith.constant 0 : i32
    %add3A_572 = arith.addi %mul3A_2, %add3A_571 : i32
    %dma_start3A_573 = arith.constant 0 : i32
    %dma_start3A_574 = arith.constant 0 : i32
    %dma_start3A_575 = tpu.memref_slice %arg14[%dma_start3A_573, %dma_start3A_574] : memref<512x128xf32, #tpu.memory_space<vmem>> -> memref<128x128xf32, #tpu.memory_space<vmem>>
    %dma_start3A_576 = arith.constant 0 : i32
    %dma_start3A_577 = tpu.memref_slice %arg6[%add3A_572, %dma_start3A_576] : memref<16384x128xf32, #tpu.memory_space<hbm>> -> memref<128x128xf32, #tpu.memory_space<hbm>>
    %dma_start3A_578 = arith.constant 0 : i32
    %dma_start3A_579 = tpu.memref_slice %arg6[%add3A_572, %dma_start3A_578] : memref<16384x128xf32, #tpu.memory_space<hbm>> -> memref<128x128xf32, #tpu.memory_space<hbm>>
    %dma_start3A_580 = arith.constant 0 : i32
    %dma_start3A_581 = arith.constant 0 : i32
    %dma_start3A_582 = tpu.memref_slice %arg14[%dma_start3A_580, %dma_start3A_581] : memref<512x128xf32, #tpu.memory_space<vmem>> -> memref<128x128xf32, #tpu.memory_space<vmem>>
    tpu.enqueue_dma source(%dma_start3A_582 : memref<128x128xf32, #tpu.memory_space<vmem>>) target(%dma_start3A_579 : memref<128x128xf32, #tpu.memory_space<hbm>>) target_semaphore(%arg16 : memref<!tpu.dma_semaphore, #tpu.memory_space<semaphore_mem>>)
    %dma_wait3A_583 = arith.constant 1 : i32
    %dma_wait3A_584 = arith.constant 128 : i32
    %dma_wait3A_585 = arith.constant 0 : i32
    %dma_wait3A_586 = tpu.memref_slice %arg14[%dma_wait3A_584, %dma_wait3A_585] : memref<512x128xf32, #tpu.memory_space<vmem>> -> memref<128x128xf32, #tpu.memory_space<vmem>>
    %dma_wait3A_587 = arith.constant 0 : i32
    %dma_wait3A_588 = tpu.memref_slice %arg9[%dma_wait3A_583, %dma_wait3A_587] : memref<4x128xi32, #tpu.memory_space<vmem>> -> memref<1x128xi32, #tpu.memory_space<vmem>>
    %dma_wait3A_589 = tpu.memref_squeeze %dma_wait3A_588 : memref<1x128xi32, #tpu.memory_space<vmem>> -> memref<128xi32, #tpu.memory_space<vmem>>
    %dma_wait3A_590 = arith.constant 0 : i32
    %dma_wait3A_591 = arith.constant 0 : i32
    %dma_wait3A_592 = tpu.memref_slice %arg13[%dma_wait3A_590, %dma_wait3A_591] : memref<15x128xf32, #tpu.memory_space<vmem_shared>> -> memref<15x128xf32, #tpu.memory_space<vmem_shared>>
    tpu.wait_indirect_dma semaphore(%arg15 : memref<!tpu.dma_semaphore, #tpu.memory_space<semaphore_mem>>) src(%dma_wait3A_592 : memref<15x128xf32, #tpu.memory_space<vmem_shared>>) dst(%dma_wait3A_586 : memref<128x128xf32, #tpu.memory_space<vmem>>)
    %add3A_593 = arith.constant 128 : i32
    %add3A_594 = arith.addi %mul3A_2, %add3A_593 : i32
    %dma_start3A_595 = arith.constant 128 : i32
    %dma_start3A_596 = arith.constant 0 : i32
    %dma_start3A_597 = tpu.memref_slice %arg14[%dma_start3A_595, %dma_start3A_596] : memref<512x128xf32, #tpu.memory_space<vmem>> -> memref<128x128xf32, #tpu.memory_space<vmem>>
    %dma_start3A_598 = arith.constant 0 : i32
    %dma_start3A_599 = tpu.memref_slice %arg6[%add3A_594, %dma_start3A_598] : memref<16384x128xf32, #tpu.memory_space<hbm>> -> memref<128x128xf32, #tpu.memory_space<hbm>>
    %dma_start3A_600 = arith.constant 0 : i32
    %dma_start3A_601 = tpu.memref_slice %arg6[%add3A_594, %dma_start3A_600] : memref<16384x128xf32, #tpu.memory_space<hbm>> -> memref<128x128xf32, #tpu.memory_space<hbm>>
    %dma_start3A_602 = arith.constant 128 : i32
    %dma_start3A_603 = arith.constant 0 : i32
    %dma_start3A_604 = tpu.memref_slice %arg14[%dma_start3A_602, %dma_start3A_603] : memref<512x128xf32, #tpu.memory_space<vmem>> -> memref<128x128xf32, #tpu.memory_space<vmem>>
    tpu.enqueue_dma source(%dma_start3A_604 : memref<128x128xf32, #tpu.memory_space<vmem>>) target(%dma_start3A_601 : memref<128x128xf32, #tpu.memory_space<hbm>>) target_semaphore(%arg16 : memref<!tpu.dma_semaphore, #tpu.memory_space<semaphore_mem>>)
    %dma_wait3A_605 = arith.constant 2 : i32
    %dma_wait3A_606 = arith.constant 256 : i32
    %dma_wait3A_607 = arith.constant 0 : i32
    %dma_wait3A_608 = tpu.memref_slice %arg14[%dma_wait3A_606, %dma_wait3A_607] : memref<512x128xf32, #tpu.memory_space<vmem>> -> memref<128x128xf32, #tpu.memory_space<vmem>>
    %dma_wait3A_609 = arith.constant 0 : i32
    %dma_wait3A_610 = tpu.memref_slice %arg9[%dma_wait3A_605, %dma_wait3A_609] : memref<4x128xi32, #tpu.memory_space<vmem>> -> memref<1x128xi32, #tpu.memory_space<vmem>>
    %dma_wait3A_611 = tpu.memref_squeeze %dma_wait3A_610 : memref<1x128xi32, #tpu.memory_space<vmem>> -> memref<128xi32, #tpu.memory_space<vmem>>
    %dma_wait3A_612 = arith.constant 0 : i32
    %dma_wait3A_613 = arith.constant 0 : i32
    %dma_wait3A_614 = tpu.memref_slice %arg13[%dma_wait3A_612, %dma_wait3A_613] : memref<15x128xf32, #tpu.memory_space<vmem_shared>> -> memref<15x128xf32, #tpu.memory_space<vmem_shared>>
    tpu.wait_indirect_dma semaphore(%arg15 : memref<!tpu.dma_semaphore, #tpu.memory_space<semaphore_mem>>) src(%dma_wait3A_614 : memref<15x128xf32, #tpu.memory_space<vmem_shared>>) dst(%dma_wait3A_608 : memref<128x128xf32, #tpu.memory_space<vmem>>)
    %add3A_615 = arith.constant 256 : i32
    %add3A_616 = arith.addi %mul3A_2, %add3A_615 : i32
    %dma_start3A_617 = arith.constant 256 : i32
    %dma_start3A_618 = arith.constant 0 : i32
    %dma_start3A_619 = tpu.memref_slice %arg14[%dma_start3A_617, %dma_start3A_618] : memref<512x128xf32, #tpu.memory_space<vmem>> -> memref<128x128xf32, #tpu.memory_space<vmem>>
    %dma_start3A_620 = arith.constant 0 : i32
    %dma_start3A_621 = tpu.memref_slice %arg6[%add3A_616, %dma_start3A_620] : memref<16384x128xf32, #tpu.memory_space<hbm>> -> memref<128x128xf32, #tpu.memory_space<hbm>>
    %dma_start3A_622 = arith.constant 0 : i32
    %dma_start3A_623 = tpu.memref_slice %arg6[%add3A_616, %dma_start3A_622] : memref<16384x128xf32, #tpu.memory_space<hbm>> -> memref<128x128xf32, #tpu.memory_space<hbm>>
    %dma_start3A_624 = arith.constant 256 : i32
    %dma_start3A_625 = arith.constant 0 : i32
    %dma_start3A_626 = tpu.memref_slice %arg14[%dma_start3A_624, %dma_start3A_625] : memref<512x128xf32, #tpu.memory_space<vmem>> -> memref<128x128xf32, #tpu.memory_space<vmem>>
    tpu.enqueue_dma source(%dma_start3A_626 : memref<128x128xf32, #tpu.memory_space<vmem>>) target(%dma_start3A_623 : memref<128x128xf32, #tpu.memory_space<hbm>>) target_semaphore(%arg16 : memref<!tpu.dma_semaphore, #tpu.memory_space<semaphore_mem>>)
    %dma_wait3A_627 = arith.constant 3 : i32
    %dma_wait3A_628 = arith.constant 384 : i32
    %dma_wait3A_629 = arith.constant 0 : i32
    %dma_wait3A_630 = tpu.memref_slice %arg14[%dma_wait3A_628, %dma_wait3A_629] : memref<512x128xf32, #tpu.memory_space<vmem>> -> memref<128x128xf32, #tpu.memory_space<vmem>>
    %dma_wait3A_631 = arith.constant 0 : i32
    %dma_wait3A_632 = tpu.memref_slice %arg9[%dma_wait3A_627, %dma_wait3A_631] : memref<4x128xi32, #tpu.memory_space<vmem>> -> memref<1x128xi32, #tpu.memory_space<vmem>>
    %dma_wait3A_633 = tpu.memref_squeeze %dma_wait3A_632 : memref<1x128xi32, #tpu.memory_space<vmem>> -> memref<128xi32, #tpu.memory_space<vmem>>
    %dma_wait3A_634 = arith.constant 0 : i32
    %dma_wait3A_635 = arith.constant 0 : i32
    %dma_wait3A_636 = tpu.memref_slice %arg13[%dma_wait3A_634, %dma_wait3A_635] : memref<15x128xf32, #tpu.memory_space<vmem_shared>> -> memref<15x128xf32, #tpu.memory_space<vmem_shared>>
    tpu.wait_indirect_dma semaphore(%arg15 : memref<!tpu.dma_semaphore, #tpu.memory_space<semaphore_mem>>) src(%dma_wait3A_636 : memref<15x128xf32, #tpu.memory_space<vmem_shared>>) dst(%dma_wait3A_630 : memref<128x128xf32, #tpu.memory_space<vmem>>)
    %add3A_637 = arith.constant 384 : i32
    %add3A_638 = arith.addi %mul3A_2, %add3A_637 : i32
    %dma_start3A_639 = arith.constant 384 : i32
    %dma_start3A_640 = arith.constant 0 : i32
    %dma_start3A_641 = tpu.memref_slice %arg14[%dma_start3A_639, %dma_start3A_640] : memref<512x128xf32, #tpu.memory_space<vmem>> -> memref<128x128xf32, #tpu.memory_space<vmem>>
    %dma_start3A_642 = arith.constant 0 : i32
    %dma_start3A_643 = tpu.memref_slice %arg6[%add3A_638, %dma_start3A_642] : memref<16384x128xf32, #tpu.memory_space<hbm>> -> memref<128x128xf32, #tpu.memory_space<hbm>>
    %dma_start3A_644 = arith.constant 0 : i32
    %dma_start3A_645 = tpu.memref_slice %arg6[%add3A_638, %dma_start3A_644] : memref<16384x128xf32, #tpu.memory_space<hbm>> -> memref<128x128xf32, #tpu.memory_space<hbm>>
    %dma_start3A_646 = arith.constant 384 : i32
    %dma_start3A_647 = arith.constant 0 : i32
    %dma_start3A_648 = tpu.memref_slice %arg14[%dma_start3A_646, %dma_start3A_647] : memref<512x128xf32, #tpu.memory_space<vmem>> -> memref<128x128xf32, #tpu.memory_space<vmem>>
    tpu.enqueue_dma source(%dma_start3A_648 : memref<128x128xf32, #tpu.memory_space<vmem>>) target(%dma_start3A_645 : memref<128x128xf32, #tpu.memory_space<hbm>>) target_semaphore(%arg16 : memref<!tpu.dma_semaphore, #tpu.memory_space<semaphore_mem>>)
    %dma_wait3A_649 = arith.constant 0 : i32
    %dma_wait3A_650 = arith.constant 0 : i32
    %dma_wait3A_651 = tpu.memref_slice %arg14[%dma_wait3A_649, %dma_wait3A_650] : memref<512x128xf32, #tpu.memory_space<vmem>> -> memref<128x128xf32, #tpu.memory_space<vmem>>
    %dma_wait3A_652 = arith.constant 0 : i32
    %dma_wait3A_653 = tpu.memref_slice %arg6[%add3A_572, %dma_wait3A_652] : memref<16384x128xf32, #tpu.memory_space<hbm>> -> memref<128x128xf32, #tpu.memory_space<hbm>>
    %dma_wait3A_654 = arith.constant 0 : i32
    %dma_wait3A_655 = tpu.memref_slice %arg6[%add3A_572, %dma_wait3A_654] : memref<16384x128xf32, #tpu.memory_space<hbm>> -> memref<128x128xf32, #tpu.memory_space<hbm>>
    %dma_wait3A_656 = arith.constant 0 : i32
    %dma_wait3A_657 = arith.constant 0 : i32
    %dma_wait3A_658 = tpu.memref_slice %arg14[%dma_wait3A_656, %dma_wait3A_657] : memref<512x128xf32, #tpu.memory_space<vmem>> -> memref<128x128xf32, #tpu.memory_space<vmem>>
    tpu.wait_dma2 semaphore(%arg16 : memref<!tpu.dma_semaphore, #tpu.memory_space<semaphore_mem>>) src(%dma_wait3A_658 : memref<128x128xf32, #tpu.memory_space<vmem>>) dst(%dma_wait3A_655 : memref<128x128xf32, #tpu.memory_space<hbm>>)
    %dma_wait3A_659 = arith.constant 128 : i32
    %dma_wait3A_660 = arith.constant 0 : i32
    %dma_wait3A_661 = tpu.memref_slice %arg14[%dma_wait3A_659, %dma_wait3A_660] : memref<512x128xf32, #tpu.memory_space<vmem>> -> memref<128x128xf32, #tpu.memory_space<vmem>>
    %dma_wait3A_662 = arith.constant 0 : i32
    %dma_wait3A_663 = tpu.memref_slice %arg6[%add3A_594, %dma_wait3A_662] : memref<16384x128xf32, #tpu.memory_space<hbm>> -> memref<128x128xf32, #tpu.memory_space<hbm>>
    %dma_wait3A_664 = arith.constant 0 : i32
    %dma_wait3A_665 = tpu.memref_slice %arg6[%add3A_594, %dma_wait3A_664] : memref<16384x128xf32, #tpu.memory_space<hbm>> -> memref<128x128xf32, #tpu.memory_space<hbm>>
    %dma_wait3A_666 = arith.constant 128 : i32
    %dma_wait3A_667 = arith.constant 0 : i32
    %dma_wait3A_668 = tpu.memref_slice %arg14[%dma_wait3A_666, %dma_wait3A_667] : memref<512x128xf32, #tpu.memory_space<vmem>> -> memref<128x128xf32, #tpu.memory_space<vmem>>
    tpu.wait_dma2 semaphore(%arg16 : memref<!tpu.dma_semaphore, #tpu.memory_space<semaphore_mem>>) src(%dma_wait3A_668 : memref<128x128xf32, #tpu.memory_space<vmem>>) dst(%dma_wait3A_665 : memref<128x128xf32, #tpu.memory_space<hbm>>)
    %dma_wait3A_669 = arith.constant 256 : i32
    %dma_wait3A_670 = arith.constant 0 : i32
    %dma_wait3A_671 = tpu.memref_slice %arg14[%dma_wait3A_669, %dma_wait3A_670] : memref<512x128xf32, #tpu.memory_space<vmem>> -> memref<128x128xf32, #tpu.memory_space<vmem>>
    %dma_wait3A_672 = arith.constant 0 : i32
    %dma_wait3A_673 = tpu.memref_slice %arg6[%add3A_616, %dma_wait3A_672] : memref<16384x128xf32, #tpu.memory_space<hbm>> -> memref<128x128xf32, #tpu.memory_space<hbm>>
    %dma_wait3A_674 = arith.constant 0 : i32
    %dma_wait3A_675 = tpu.memref_slice %arg6[%add3A_616, %dma_wait3A_674] : memref<16384x128xf32, #tpu.memory_space<hbm>> -> memref<128x128xf32, #tpu.memory_space<hbm>>
    %dma_wait3A_676 = arith.constant 256 : i32
    %dma_wait3A_677 = arith.constant 0 : i32
    %dma_wait3A_678 = tpu.memref_slice %arg14[%dma_wait3A_676, %dma_wait3A_677] : memref<512x128xf32, #tpu.memory_space<vmem>> -> memref<128x128xf32, #tpu.memory_space<vmem>>
    tpu.wait_dma2 semaphore(%arg16 : memref<!tpu.dma_semaphore, #tpu.memory_space<semaphore_mem>>) src(%dma_wait3A_678 : memref<128x128xf32, #tpu.memory_space<vmem>>) dst(%dma_wait3A_675 : memref<128x128xf32, #tpu.memory_space<hbm>>)
    %dma_wait3A_679 = arith.constant 384 : i32
    %dma_wait3A_680 = arith.constant 0 : i32
    %dma_wait3A_681 = tpu.memref_slice %arg14[%dma_wait3A_679, %dma_wait3A_680] : memref<512x128xf32, #tpu.memory_space<vmem>> -> memref<128x128xf32, #tpu.memory_space<vmem>>
    %dma_wait3A_682 = arith.constant 0 : i32
    %dma_wait3A_683 = tpu.memref_slice %arg6[%add3A_638, %dma_wait3A_682] : memref<16384x128xf32, #tpu.memory_space<hbm>> -> memref<128x128xf32, #tpu.memory_space<hbm>>
    %dma_wait3A_684 = arith.constant 0 : i32
    %dma_wait3A_685 = tpu.memref_slice %arg6[%add3A_638, %dma_wait3A_684] : memref<16384x128xf32, #tpu.memory_space<hbm>> -> memref<128x128xf32, #tpu.memory_space<hbm>>
    %dma_wait3A_686 = arith.constant 384 : i32
    %dma_wait3A_687 = arith.constant 0 : i32
    %dma_wait3A_688 = tpu.memref_slice %arg14[%dma_wait3A_686, %dma_wait3A_687] : memref<512x128xf32, #tpu.memory_space<vmem>> -> memref<128x128xf32, #tpu.memory_space<vmem>>
    tpu.wait_dma2 semaphore(%arg16 : memref<!tpu.dma_semaphore, #tpu.memory_space<semaphore_mem>>) src(%dma_wait3A_688 : memref<128x128xf32, #tpu.memory_space<vmem>>) dst(%dma_wait3A_685 : memref<128x128xf32, #tpu.memory_space<hbm>>)
    return
  }
}

</mosaic_0001>

<sc_bundles>
// kernel: kernel.3.cloned.1.call-start
scs
__scs_entry_jumppad:
0x0: {  	(pc) =	sbr.rel $0x88, $3  }
0x1: {  	(tag) =	ssettag $0x0;
	lr =	simm.s32 $0x1  }
0x2: {  	[smem:$0x3F9D] =	sst lr;
	_ =	strace $0xD0000000  }
0x3: {  	_ = 	snop  }
0x4: {  	_ = 	snop  }
0x5: {  	_ = 	snop  }
0x6: {  	_ = 	snop  }
0x7: {  	_ = 	snop  }
__scs_overlays_trampoline_lowered:
0x8: {  	[smem:$0x3FAC] =	sst s0  }
0x9: {  	[smem:$0x3FAD] =	sst s1  }
0xa: {  	[smem:$0x3FAE] =	sst s2  }
0xb: {  	[smem:$0x3FAF] =	sst s3  }
0xc: {  	[smem:$0x3FB0] =	sst s4  }
0xd: {  	[smem:$0x3FB1] =	sst s5  }
0xe: {  	[smem:$0x3FB2] =	sst s6  }
0xf: {  	[smem:$0x3FB3] =	sst s7  }
0x10: {  	[smem:$0x3FB4] =	sst s8  }
0x11: {  	[smem:$0x3FB5] =	sst s9;
	s0 =	simm.s32 @!p0 $0x0  }
0x12: {  	s1 =	sld [smem:$0x3F9B];
	s0 =	simm.s32 @p0 $0x1  }
0x13: {  	[smem:$0x3FB6] =	sst s0;
	s0 =	simm.s32 @!p1 $0x0  }
0x14: {  	s2 =	sld [smem:$0x3F9A];
	s0 =	simm.s32 @p1 $0x1  }
0x15: {  	[smem:$0x3FB7] =	sst s0;
	s0 =	simm.s32 @!p2 $0x0  }
0x16: {  	s3 =	sld [smem:$0x3FDB];
	s0 =	simm.s32 @p2 $0x1  }
0x17: {  	s4 =	simm.s32 $0x1BF5;
	[smem:$0x3FB9] =	sst s0  }
0x18: {  	s0 =	sld [smem:$0x3F9C];
	_ =	swait.ge [sflag:s4], $0x0  }
0x19: {  	s7 =	sld [smem:$0x3F9D]  }
0x1a: {  	s8 =	sadd.s32 $0xFFFFE003, lr  }
0x1b: {  	s9 =	sadd.s32 $0xFFFFFEF7, lr;
	s5 =	simm.s32 $0xFFFFFFFF;
	p2 =	slt.u32 s8, $0xFFFFF086  }
0x1c: {  	p1 =	slt.u32 s9, $0xF7A;
	s5 =	simm.s32 @!p2 $0x0  }
0x1d: {  	s5 =	simm.s32 @p1 $0x1;
	p0 =	seq.s32 s7, s2  }
0x1e: {  	s7 =	smul.u32 @!p0 $0xF7A, s2;
	p2 =	seq.s32 @!p0 s5, $0x0  }
0x1f: {  	s9 =	smul.u32 $0xF7A, s1;
	s8 =	simm.s32 @!p0 $0x1BF5;
	p2 =	por !p2, p0  }
0x20: {  	[sflag:s8] =	ssyncset.s32 @!p0 $0xFFFFF086;
	s6 =	sadd.s32 @!p0 s3, s7;
	s7 =	simm.s32 @!p0 $0x108  }
0x21: {  	s3 =	sadd.s32 s3, s9;
	s6 =	sadd.s32 @!p0 $0x88, s6;
	s7 =	simm.s32 @p2 $0x1082  }
0x22: {  	[simem:s7], [sflag:s8] =	dma.local @!p0 [hbm:s6], $0xF7A  }
0x23: {  	s9 =	sor.u32 $0xD0000000, s2;
	s6 =	simm.s32 $0x108;
	_ =	swait.ge @!p0 [sflag:s8], $0x0  }
0x24: {  	s3 =	sadd.s32 $0x88, s3;
	s6 =	simm.s32 @!p1 $0x1082;
	[sflag:s4] =	ssyncset.s32 $0xFFFFF086  }
0x25: {  	[simem:s6], [sflag:s4] =	dma.local [hbm:s3], $0xF7A  }
0x26: {  	[smem:$0x3F9D] =	sst s1;
	(tag) =	ssettag s2;
	_ =	strace s9  }
0x27: {  	s1 =	sld [smem:$0x3FAD]  }
0x28: {  	s2 =	sld [smem:$0x3FAE]  }
0x29: {  	s4 =	sld [smem:$0x3FB0]  }
0x2a: {  	p0 =	seq.s32 s5, $0x0;
	s5 =	sld [smem:$0x3FB1]  }
0x2b: {  	s6 =	sld [smem:$0x3FB2]  }
0x2c: {  	s7 =	sld [smem:$0x3FB3]  }
0x2d: {  	s3 =	simm.s32 $0x108;
	s8 =	sld [smem:$0x3FB4]  }
0x2e: {  	s3 =	simm.s32 @!p0 $0x1082;
	s9 =	sld [smem:$0x3FB5]  }
0x2f: {  	lr =	sadd.s32 s0, s3;
	s0 =	sld [smem:$0x3FAC]  }
0x30: {  	s3 =	sld [smem:$0x3FAF]  }
0x31: {  	[smem:$0x3FB8] =	sst s10  }
0x32: {  	s10 =	sld [smem:$0x3FB6];
	_ =	sdelay $0x3  }
0x33: {  	p0 =	seq.s32 s10, $0x1;
	s10 =	sld [smem:$0x3FB8];
	_ =	sdelay $0x3  }
0x34: {  	[smem:$0x3FB8] =	sst s10  }
0x35: {  	s10 =	sld [smem:$0x3FB7];
	_ =	sdelay $0x3  }
0x36: {  	p1 =	seq.s32 s10, $0x1;
	s10 =	sld [smem:$0x3FB8];
	_ =	sdelay $0x3  }
0x37: {  	[smem:$0x3FB8] =	sst s10  }
0x38: {  	s10 =	sld [smem:$0x3FB9]  }
0x39: {  	_ = 	snop;
	(pc) =	sbr.ind lr, $3  }
0x3a: {  	_ = 	snop  }
0x3b: {  	_ = 	snop  }
0x3c: {  	p2 =	seq.s32 s10, $0x1;
	s10 =	sld [smem:$0x3FB8]  }
0x3d: {  	_ =	shalt  }
0x3e: {  	_ =	shalt  }
0x3f: {  	_ =	shalt  }
0x40: {  	_ =	shalt  }
0x41: {  	_ =	shalt  }
0x42: {  	_ =	shalt  }
0x43: {  	_ =	shalt  }
0x44: {  	_ =	shalt  }
0x45: {  	_ =	shalt  }
0x46: {  	_ =	shalt  }
0x47: {  	_ =	shalt  }
0x48: {  	_ =	shalt  }
0x49: {  	_ =	shalt  }
0x4a: {  	_ =	shalt  }
0x4b: {  	_ =	shalt  }
0x4c: {  	_ =	shalt  }
0x4d: {  	_ =	shalt  }
0x4e: {  	_ =	shalt  }
0x4f: {  	_ =	shalt  }
0x50: {  	_ =	shalt  }
0x51: {  	_ =	shalt  }
0x52: {  	_ =	shalt  }
0x53: {  	_ =	shalt  }
0x54: {  	_ =	shalt  }
0x55: {  	_ =	shalt  }
0x56: {  	_ =	shalt  }
0x57: {  	_ =	shalt  }
0x58: {  	_ =	shalt  }
0x59: {  	_ =	shalt  }
0x5a: {  	_ =	shalt  }
0x5b: {  	_ =	shalt  }
0x5c: {  	_ =	shalt  }
0x5d: {  	_ =	shalt  }
0x5e: {  	_ =	shalt  }
0x5f: {  	_ =	shalt  }
0x60: {  	_ =	shalt  }
0x61: {  	_ =	shalt  }
0x62: {  	_ =	shalt  }
0x63: {  	_ =	shalt  }
0x64: {  	_ =	shalt  }
0x65: {  	_ =	shalt  }
0x66: {  	_ =	shalt  }
0x67: {  	_ =	shalt  }
0x68: {  	_ =	shalt  }
0x69: {  	_ =	shalt  }
0x6a: {  	_ =	shalt  }
0x6b: {  	_ =	shalt  }
0x6c: {  	_ =	shalt  }
0x6d: {  	_ =	shalt  }
0x6e: {  	_ =	shalt  }
0x6f: {  	_ =	shalt  }
0x70: {  	_ =	shalt  }
0x71: {  	_ =	shalt  }
0x72: {  	_ =	shalt  }
0x73: {  	_ =	shalt  }
0x74: {  	_ =	shalt  }
0x75: {  	_ =	shalt  }
0x76: {  	_ =	shalt  }
0x77: {  	_ =	shalt  }
0x78: {  	_ =	shalt  }
0x79: {  	_ =	shalt  }
0x7a: {  	_ =	shalt  }
0x7b: {  	_ =	shalt  }
0x7c: {  	_ =	shalt  }
0x7d: {  	_ =	shalt  }
0x7e: {  	_ =	shalt  }
0x7f: {  	_ =	shalt  }
0x80: {  	_ =	shalt  }
0x81: {  	_ =	shalt  }
0x82: {  	_ =	shalt  }
0x83: {  	_ =	shalt  }
0x84: {  	_ =	shalt  }
0x85: {  	_ =	shalt  }
0x86: {  	_ =	shalt  }
0x87: {  	_ =	shalt  }
.Lfunc_end0:
.L_simem_size_0:
called_computation_lowered:
.L_overlay_start_0:
0x88: {  	s2 =	sld [smem:$0x3FD9]  }
0x89: {  	s3 =	sld [smem:$0x3FFE];
	_ =	sdelay $0x1  }
0x8a: {  	s1 =	srdreg.scid  }
0x8b: {  	s0 =	sand.u32 $0x1, s1  }
0x8c: {  	s17 =	sshll.u32 s0, $0xA;
	s2 =	sadd.s32 s3, s2  }
0x8d: {  	s2 =	sadd.s32 s2, s17  }
0x8e: {  	[smem:$0x3FC4] =	sst s2  }
0x8f: {  	_ = 	snop  }
0x90: {  	s2 =	sld [smem:$0x3FC9]  }
0x91: {  	s18 =	sld [smem:$0x3FC8]  }
0x92: {  	s4 =	sld [smem:$0x3FD0];
	(tm) =	ssettm $0x1  }
0x93: {  	s5 =	sld [smem:$0x3FFB];
	_ =	sdelay $0x3  }
0x94: {  	_ =	strace s5  }
0x95: {  	s5 =	sld [smem:$0x3FFC];
	_ =	sdelay $0x3  }
0x96: {  	_ =	strace s5  }
0x97: {  	s5 =	sld [smem:$0x3FFD];
	_ =	sdelay $0x3  }
0x98: {  	_ =	strace s5  }
0x99: {  	_ =	strace $0x8FFFFFFF  }
0x9a: {  	s19 =	sld [smem:$0x3FDB];
	_ =	sdelay $0x1  }
0x9b: {  	s6 =	simm.s32 $_scs_section_size  }
0x9c: {  	s7 =	simm.s32 $_size__tile_overlayer_lowered;
	s8 =	simm.s32 $_tile_overlayer_lowered  }
0x9d: {  	s22 =	simm.s32 $0x1BFF;
	s21 =	sshll.u32 s8, $0x1;
	s5 =	sadd.s32 s6, s19  }
0x9e: {  	s9 =	simm.s32 $0x0;
	s20 =	sshll.u32 s7, $0x1;
	s7 =	sadd.s32 s21, s5  }
0x9f: {  	[timem:s9], [sflag:s22] =	dma.local [hbm:s7], s20  }
0xa0: {  	_ =	swait.ge [sflag:s22], s20  }
0xa1: {  	s6 =	ssub.s32 $0x0, s20;
	[sflag:s22] =	ssyncset.done $0x0  }
0xa2: {  	[sflag:s22] =	ssyncadd.s32 s6;
	_ =	sdelay $0x1  }
0xa3: {  	s23 =	simm.s32 $0x1B8B  }
0xa4: {  	_ =	swait.ge [sflag:s23], $0x1  }
0xa5: {  	[sflag:s23] =	ssyncset.done $0x0  }
0xa6: {  	s25 =	simm.s32 $0x1B8E;
	s24 =	sld [smem:$0x3FFE];
	[sflag:s23] =	ssyncadd.s32 $0xFFFFFFFF  }
0xa7: {  	s26 =	simm.s32 $execute0_lowered;
	[smem:$0x3FD2] =	sst s25  }
0xa8: {  	s7 =	sshll.u32 s26, $0x1;
	_ =	strace $0x80000046;
	[dreg:$0x1] =	wrdreg $0xFFFFFFFF  }
0xa9: {  	s28 =	simm.s32 $_size_execute0_lowered;
	s5 =	sadd.s32 s5, s7;
	[dreg:$0x0] =	wrdreg $0x0  }
0xaa: {  	s7 =	sshll.u32 s28, $0x1;
	[dreg:$0x2] =	wrdreg s5  }
0xab: {  	[dreg:$0x3] =	wrdreg s7  }
0xac: {  	[dreg:$0x4] =	wrdreg $0xC0  }
0xad: {  	_ =	task [dreg:s9], $0x5FFFF  }
0xae: {  	[dreg:$0x1] =	wrdreg $0xFFFFFFFF  }
0xaf: {  	[dreg:$0x0] =	wrdreg $0x60  }
0xb0: {  	[dreg:$0x2] =	wrdreg s2  }
0xb1: {  	[dreg:$0x3] =	wrdreg s18  }
0xb2: {  	[dreg:$0x4] =	wrdreg s24  }
0xb3: {  	[dreg:$0x5] =	wrdreg s4  }
0xb4: {  	[dreg:$0x6] =	wrdreg $0x10800  }
0xb5: {  	[dreg:$0x7] =	wrdreg $0x9  }
0xb6: {  	_ =	task.clear_ibuf [dreg:s9], $0x8FFFF;
	_ =	strace $0x90000046  }
0xb7: {  	s29 =	simm.s32 $0x9;
	_ =	strace $0x80000048  }
0xb8: {  	_ =	swait.ge [sflag:s29], $0x1  }
0xb9: {  	[sflag:s29] =	ssyncadd.s32 $0xFFFFFFFF  }
0xba: {  	_ =	strace $0x90000048  }
0xbb: {  	_ =	sfence  }
0xbc: {  	s30 =	sld [smem:$0x0];
	_ =	sdelay $0x2  }
0xbd: {  	s31 =	sshll.u32 s1, $0xD;
	s1 =	sshrl.u32 s1, $0x2  }
0xbe: {  	s3 =	sand.u32 $0x4000, s31;
	s1 =	sadd.s32 s1, s30  }
0xbf: {  	s0 =	sor.u32 s3, s0;
	s1 =	sshll.u32 s1, $0x11  }
0xc0: {  	s0 =	sor.u32 s1, s0  }
0xc1: {  	s0 =	sadd.s32 $0x8F2B, s0  }
0xc2: {  	[sflag:s0] =	ssyncadd.remote.s32 $0x1  }
0xc3: {  	_ =	sfence.sel $0xFFFF  }
0xc4: {  	[dreg:$0x0] =	wrdreg $0xFFFFFFFF;
	(pc) =	sbr.abs _section_cstart, $3  }
0xc5: {  	[dreg:$0x1] =	wrdreg $0xFFFFFFFF  }
0xc6: {  	_ =	task.clear_ibuf [dreg:s9], $0x2FFFF;
	_ =	strace $0x9FFFFFFF  }
0xc7: {  	(tm) =	ssettm $0x7FFFFFFF  }
tec
execute0_lowered:
.L_overlay_start_1:
0x0: {  	(tag) =	ssettag $0x1  }
0x1: {  	s6 =	rddreg [dreg:$0x0]  }
0x2: {  	s7 =	rddreg [dreg:$0x1]  }
0x3: {  	s4 =	rddreg [dreg:$0x2]  }
0x4: {  	s5 =	rddreg [dreg:$0x3]  }
0x5: {  	s1 =	rddreg [dreg:$0x4]  }
0x6: {  	s0 =	rddreg [dreg:$0x5]  }
0x7: {  	s2 =	simm.s32 $0x0;
	s3 =	srdreg.scid;
	s12 =	stileid.u32  }
0x8: {  	s14 =	simm.s32 $0x780;
	s15 =	simm.s32 $0x3;
	s16 =	simm.s32 $0x880  }
0x9: {  	s17 =	simm.s32 $0x4;
	s18 =	simm.s32 $0x1;
	s19 =	simm.s32 $0x80  }
0xa: {  	s20 =	simm.s32 $0x400;
	s21 =	simm.s32 $0x10F8;
	s22 =	simm.s32 $0x480  }
0xb: {  	s23 =	simm.s32 $0x50F8;
	s24 =	simm.s32 $0x500;
	s25 =	simm.s32 $0x90F8  }
0xc: {  	s26 =	simm.s32 $0x580;
	s28 =	simm.s32 $0xD0F8;
	s29 =	simm.s32 $0x2  }
0xd: {  	[smem:$0x7FF] =	sst s2;
	s8 =	sand.u32 $0x1, s3;
	s9 =	sshll.u32 s12, $0xA  }
0xe: {  	s3 =	sadd.s32 $0x600, s4;
	s4 =	sadd.s32 $0x400, s4;
	p0 =	sne.s32 s12, $0x0  }
0xf: {  	s12 =	simm.s32 $0x200;
	_ =	strace $0x80000047;
	s10 =	sshll.u32 s8, $0x9  }
.Ltmp0:
0x10: {  	s8 =	ssub.s32 $0x2, s8;
	s9 =	sor.u32 s10, s9;
	(pc) =	sbr.rel .LBB2_1-.Ltmp0, $4  }
0x11: {  	s30 =	sshrl.u32 s8, $0x1;
	s11 =	sshll.u32 s9, $0x4;
	s31 =	sshrl.u32 s9, $0x3  }
0x12: {  	s13 =	ssub.s32 s8, s30;
	s5 =	sadd.s32 s5, s11;
	s6 =	sadd.s32 s6, s31  }
0x13: {  	s7 =	sadd.s32 s7, s31;
	s11 =	smax.u32 s13, $0x1;
	s13 =	simm.s32 $0x600  }
0x14: {  	s8 =	sadd.s32 $0x800, s5;
	s9 =	sadd.s32 $0x1000, s5;
	s10 =	sadd.s32 $0x1800, s5  }
.LBB2_3:
0x15: {  	_ =	swait.ge [sflag:s18], $0x200  }
0x16: {  	[sflag:s18] =	ssyncset.done $0x0  }
0x17: {  	[sflag:s18] =	ssyncadd.s32 $0xFFFFFE00  }
0x18: {  	_ =	swait.ge [sflag:s18], $0x200  }
0x19: {  	[sflag:s18] =	ssyncset.done $0x0  }
0x1a: {  	[sflag:s18] =	ssyncadd.s32 $0xFFFFFE00  }
0x1b: {  	v0 =	vld [tilespmem:$0x0]  }
0x1c: {  	v1 =	vld [tilespmem:$0x200]  }
0x1d: {  	v2 =	vld [tilespmem:$0x10]  }
0x1e: {  	v3 =	vld [tilespmem:$0x210]  }
0x1f: {  	v4 =	vld [tilespmem:$0x20]  }
0x20: {  	v5 =	vld [tilespmem:$0x220]  }
0x21: {  	v6 =	vld [tilespmem:$0x30]  }
0x22: {  	v7 =	vld [tilespmem:$0x230]  }
0x23: {  	v8 =	vld [tilespmem:$0x40]  }
0x24: {  	v9 =	vld [tilespmem:$0x240]  }
0x25: {  	v10 =	vld [tilespmem:$0x50]  }
0x26: {  	v11 =	vld [tilespmem:$0x250]  }
0x27: {  	v12 =	vld [tilespmem:$0x60]  }
0x28: {  	v13 =	vld [tilespmem:$0x260]  }
0x29: {  	v14 =	vld [tilespmem:$0x70]  }
0x2a: {  	v15 =	vld [tilespmem:$0x270]  }
0x2b: {  	v16 =	vld [tilespmem:$0x80]  }
0x2c: {  	v17 =	vld [tilespmem:$0x280]  }
0x2d: {  	v18 =	vld [tilespmem:$0x90]  }
0x2e: {  	v19 =	vld [tilespmem:$0x290]  }
0x2f: {  	v20 =	vld [tilespmem:$0xA0]  }
0x30: {  	v21 =	vld [tilespmem:$0x2A0]  }
0x31: {  	v22 =	vld [tilespmem:$0xB0]  }
0x32: {  	v23 =	vld [tilespmem:$0x2B0]  }
0x33: {  	v24 =	vld [tilespmem:$0xC0]  }
0x34: {  	v25 =	vld [tilespmem:$0x2C0]  }
0x35: {  	v26 =	vld [tilespmem:$0xD0]  }
0x36: {  	v27 =	vld [tilespmem:$0x2D0]  }
0x37: {  	v28 =	vld [tilespmem:$0xE0]  }
0x38: {  	v29 =	vld [tilespmem:$0x2E0]  }
0x39: {  	v30 =	vld [tilespmem:$0xF0]  }
0x3a: {  	v31 =	vld [tilespmem:$0x2F0]  }
0x3b: {  	v32 =	vld [tilespmem:$0x100]  }
0x3c: {  	v33 =	vld [tilespmem:$0x300]  }
0x3d: {  	v34 =	vld [tilespmem:$0x110]  }
0x3e: {  	v35 =	vld [tilespmem:$0x310];
	v0 =	vmul.u32 $0x3, v0  }
0x3f: {  	v36 =	vld [tilespmem:$0x120];
	v2 =	vmul.u32 $0x3, v2  }
0x40: {  	v38 =	vld [tilespmem:$0x350];
	v54 =	vmul.u32 $0x3, v4;
	v0 =	vadd.s32 v1, v0  }
0x41: {  	v41 =	vld [tilespmem:$0x160];
	v56 =	vmul.u32 $0x3, v6;
	v55 =	vadd.s32 v3, v2;
	[tilespmem:$0x400] =	vst v0  }
0x42: {  	v44 =	vld [tilespmem:$0x360];
	v58 =	vmul.u32 $0x3, v8;
	v57 =	vadd.s32 v5, v54;
	[tilespmem:$0x410] =	vst v55  }
0x43: {  	v47 =	vld [tilespmem:$0x170];
	v60 =	vmul.u32 $0x3, v10;
	v59 =	vadd.s32 v7, v56;
	[tilespmem:$0x420] =	vst v57  }
0x44: {  	v50 =	vld [tilespmem:$0x370];
	v62 =	vmul.u32 $0x3, v12;
	v61 =	vadd.s32 v9, v58;
	[tilespmem:$0x430] =	vst v59  }
0x45: {  	v53 =	vld [tilespmem:$0x180];
	v12 =	vmul.u32 $0x3, v14;
	v63 =	vadd.s32 v11, v60;
	[tilespmem:$0x440] =	vst v61  }
0x46: {  	v4 =	vld [tilespmem:$0x320];
	v37 =	vmul.u32 $0x3, v16;
	v14 =	vadd.s32 v13, v62;
	[tilespmem:$0x450] =	vst v63  }
0x47: {  	v6 =	vld [tilespmem:$0x140];
	v40 =	vmul.u32 $0x3, v18;
	v39 =	vadd.s32 v15, v12;
	[tilespmem:$0x460] =	vst v14  }
0x48: {  	v8 =	vld [tilespmem:$0x150];
	v43 =	vmul.u32 $0x3, v20;
	v42 =	vadd.s32 v17, v37;
	[tilespmem:$0x470] =	vst v39  }
0x49: {  	v46 =	vmul.u32 $0x3, v22;
	v22 =	vld [tilespmem:$0x1A0];
	v45 =	vadd.s32 v19, v40;
	[tilespmem:$0x480] =	vst v42  }
0x4a: {  	v49 =	vmul.u32 $0x3, v24;
	v3 =	vld [tilespmem:$0x130];
	v48 =	vadd.s32 v21, v43;
	[tilespmem:$0x490] =	vst v45  }
0x4b: {  	v24 =	vmul.u32 $0x3, v36;
	v36 =	vmul.u32 $0x3, v41;
	v5 =	vld [tilespmem:$0x330];
	v51 =	vadd.s32 v23, v46;
	[tilespmem:$0x4A0] =	vst v48  }
0x4c: {  	v52 =	vmul.u32 $0x3, v26;
	v7 =	vld [tilespmem:$0x340];
	v54 =	vadd.s32 v25, v49;
	[tilespmem:$0x4B0] =	vst v51  }
0x4d: {  	v56 =	vld [tilespmem:$0x380];
	v58 =	vmul.u32 $0x3, v30;
	v41 =	vadd.s32 v44, v36;
	[tilespmem:$0x4C0] =	vst v54  }
0x4e: {  	v62 =	vld [tilespmem:$0x390];
	v21 =	vmul.u32 $0x3, v34;
	v57 =	vadd.s32 v27, v52;
	[tilespmem:$0x560] =	vst v41  }
0x4f: {  	v25 =	vld [tilespmem:$0x3A0];
	v55 =	vmul.u32 $0x3, v28;
	[tilespmem:$0x4D0] =	vst v57;
	v63 =	vadd.s32 v31, v58  }
0x50: {  	v34 =	vld [tilespmem:$0x1C0];
	v61 =	vmul.u32 $0x3, v32;
	v26 =	vadd.s32 v35, v21;
	[tilespmem:$0x4F0] =	vst v63  }
0x51: {  	v37 =	vld [tilespmem:$0x3C0];
	v60 =	vadd.s32 v29, v55;
	[tilespmem:$0x510] =	vst v26  }
0x52: {  	v40 =	vld [tilespmem:$0x1D0];
	v39 =	vmul.u32 $0x3, v47;
	v23 =	vadd.s32 v33, v61;
	[tilespmem:$0x4E0] =	vst v60  }
0x53: {  	v43 =	vld [tilespmem:$0x3D0];
	v29 =	vadd.s32 v4, v24;
	v30 =	vmul.u32 $0x3, v6;
	[tilespmem:$0x500] =	vst v23  }
0x54: {  	v46 =	vld [tilespmem:$0x1E0];
	v33 =	vmul.u32 $0x3, v8;
	v44 =	vadd.s32 v50, v39;
	[tilespmem:$0x520] =	vst v29  }
0x55: {  	v59 =	vld [tilespmem:$0x190];
	v42 =	vmul.u32 $0x3, v53;
	[tilespmem:$0x570] =	vst v44;
	v35 =	vadd.s32 v7, v30  }
0x56: {  	v28 =	vld [tilespmem:$0x1B0];
	v48 =	vmul.u32 $0x3, v22;
	v38 =	vadd.s32 v38, v33;
	[tilespmem:$0x540] =	vst v35  }
0x57: {  	v49 =	vld [tilespmem:$0x1F0];
	v27 =	vmul.u32 $0x3, v3;
	v47 =	vadd.s32 v56, v42;
	[tilespmem:$0x550] =	vst v38  }
0x58: {  	v31 =	vld [tilespmem:$0x3B0];
	v53 =	vadd.s32 v25, v48;
	v54 =	vmul.u32 $0x3, v34;
	[tilespmem:$0x580] =	vst v47  }
0x59: {  	v52 =	vld [tilespmem:$0x3E0];
	v57 =	vmul.u32 $0x3, v40;
	[tilespmem:$0x5A0] =	vst v53;
	v32 =	vadd.s32 v5, v27  }
0x5a: {  	v55 =	vld [tilespmem:$0x3F0];
	v45 =	vmul.u32 $0x3, v59;
	v58 =	vadd.s32 v37, v54;
	[tilespmem:$0x530] =	vst v32  }
0x5b: {  	v51 =	vmul.u32 $0x3, v28;
	v60 =	vadd.s32 v43, v57;
	[tilespmem:$0x5C0] =	vst v58  }
0x5c: {  	v59 =	vmul.u32 $0x3, v46;
	v50 =	vadd.s32 v62, v45;
	[tilespmem:$0x5D0] =	vst v60  }
0x5d: {  	v61 =	vmul.u32 $0x3, v49;
	v56 =	vadd.s32 v31, v51;
	[tilespmem:$0x590] =	vst v50  }
0x5e: {  	v62 =	vadd.s32 v52, v59;
	[tilespmem:$0x5B0] =	vst v56  }
0x5f: {  	v63 =	vadd.s32 v55, v61;
	[tilespmem:$0x5E0] =	vst v62  }
0x60: {  	[tilespmem:$0x5F0] =	vst v63  }
0x61: {  	[bflag:$0x0] =	sbarrier.arrive $0xFFFF  }
0x62: {  	[tilespmem:s21], [sflag:$0x1] =	stream.indirect.gather [spmem:s1], $0x80, s20, s19, $0xb8;
	[tilespmem:$0x110F8] =	vst v63  }
0x63: {  	_ = 	snop  }
0x64: {  	[tilespmem:s23], [sflag:$0x1] =	stream.indirect.gather [spmem:s1], $0x80, s22, s19, $0xb8;
	[tilespmem:$0x110F8] =	vst v63  }
0x65: {  	_ = 	snop  }
0x66: {  	[tilespmem:s25], [sflag:$0x1] =	stream.indirect.gather [spmem:s1], $0x80, s24, s19, $0xb8;
	[tilespmem:$0x110F8] =	vst v63  }
0x67: {  	_ = 	snop  }
0x68: {  	[tilespmem:s28], [sflag:$0x1] =	stream.indirect.gather [spmem:s1], $0x80, s26, s19, $0xb8;
	[tilespmem:$0x110F8] =	vst v63  }
0x69: {  	_ =	swait.ge [sflag:s18], $0x4000  }
0x6a: {  	[sflag:s18] =	ssyncset.done $0x0  }
0x6b: {  	[sflag:s18] =	ssyncadd.s32 $0xFFFFC000  }
0x6c: {  	[hbm4b:s5+s2] =	stream.linear.scatter [tilespmem:s21], [sflag:$0x2], $0x4000, $0x38;
	[tilespmem:$0x110F8] =	vst v63  }
0x6d: {  	_ =	swait.ge [sflag:s18], $0x4000  }
0x6e: {  	[sflag:s18] =	ssyncset.done $0x0  }
0x6f: {  	[sflag:s18] =	ssyncadd.s32 $0xFFFFC000  }
0x70: {  	[hbm4b:s8+s2] =	stream.linear.scatter [tilespmem:s23], [sflag:$0x2], $0x4000, $0x38;
	[tilespmem:$0x110F8] =	vst v63  }
0x71: {  	_ =	swait.ge [sflag:s18], $0x4000  }
0x72: {  	[sflag:s18] =	ssyncset.done $0x0  }
0x73: {  	[sflag:s18] =	ssyncadd.s32 $0xFFFFC000  }
0x74: {  	[hbm4b:s9+s2] =	stream.linear.scatter [tilespmem:s25], [sflag:$0x2], $0x4000, $0x38;
	[tilespmem:$0x110F8] =	vst v63  }
0x75: {  	_ =	swait.ge [sflag:s18], $0x4000  }
0x76: {  	[sflag:s18] =	ssyncset.done $0x0  }
0x77: {  	[sflag:s18] =	ssyncadd.s32 $0xFFFFC000  }
0x78: {  	[hbm4b:s10+s2] =	stream.linear.scatter [tilespmem:s28], [sflag:$0x2], $0x4000, $0x38;
	[tilespmem:$0x110F8] =	vst v63  }
0x79: {  	_ =	swait.ge [sflag:s29], $0x4000  }
0x7a: {  	[sflag:s29] =	ssyncset.done $0x0  }
0x7b: {  	[sflag:s29] =	ssyncadd.s32 $0xFFFFC000  }
0x7c: {  	_ =	swait.ge [sflag:s29], $0x4000  }
0x7d: {  	[sflag:s29] =	ssyncset.done $0x0  }
0x7e: {  	s11 =	sadd.s32 $0xFFFFFFFF, s11;
	[sflag:s29] =	ssyncadd.s32 $0xFFFFC000  }
0x7f: {  	p1 =	sne.s32 s11, $0x0;
	_ =	swait.ge [sflag:s29], $0x4000  }
.Ltmp1:
0x80: {  	[sflag:s29] =	ssyncset.done $0x0;
	(pc) =	sbr.rel @!p1 .LBB2_4-.Ltmp1, $4  }
0x81: {  	[sflag:s29] =	ssyncadd.s32 $0xFFFFC000  }
0x82: {  	_ =	swait.ge [sflag:s29], $0x4000  }
0x83: {  	[sflag:s29] =	ssyncset.done $0x0  }
0x84: {  	[sflag:s29] =	ssyncadd.s32 $0xFFFFC000  }
.LBB2_1:
.Ltmp2:
0x85: {  	(pc) =	sbr.rel @p0 .LBB2_3-.Ltmp2, $4  }
0x86: {  	_ = 	snop  }
0x87: {  	[tilespmem:s2], [sflag:$0x1] =	stream.linear.gather [hbm4b:s6+s2], $0x200, $0x38;
	[tilespmem:$0x110F8] =	vst v63  }
0x88: {  	_ = 	snop  }
0x89: {  	[tilespmem:s12], [sflag:$0x1] =	stream.linear.gather [hbm4b:s7+s2], $0x200, $0x38;
	[tilespmem:$0x110F8] =	vst v63  }
0x8a: {  	[tilespmem:s13], [sflag:$0x3] =	stream.linear.gather [hbm4b:s3+s2], $0x180, $0x38;
	[tilespmem:$0x110F8] =	vst v63  }
0x8b: {  	_ = 	snop  }
0x8c: {  	[tilespmem:s14], [sflag:$0x3] =	stream.linear.gather [hbm4b:s4+s2], $0x100, $0x38;
	[tilespmem:$0x110F8] =	vst v63  }
0x8d: {  	_ =	swait.ge [sflag:s15], $0x180  }
0x8e: {  	[sflag:s15] =	ssyncset.done $0x0  }
0x8f: {  	[sflag:s15] =	ssyncadd.s32 $0xFFFFFE80  }
0x90: {  	_ =	swait.ge [sflag:s15], $0x100  }
0x91: {  	[sflag:s15] =	ssyncset.done $0x0  }
0x92: {  	[sflag:s15] =	ssyncadd.s32 $0xFFFFFF00  }
0x93: {  	v0 =	vld [tilespmem:$0x600]  }
0x94: {  	v1 =	vld [tilespmem:$0x610]  }
0x95: {  	v2 =	vld [tilespmem:$0x620]  }
0x96: {  	v3 =	vld [tilespmem:$0x630]  }
0x97: {  	v4 =	vld [tilespmem:$0x780]  }
0x98: {  	v61 =	vld [tilespmem:$0x790];
	[tilespmem:$0x880] =	vst v0  }
0x99: {  	v62 =	vld [tilespmem:$0x7A0];
	[tilespmem:$0x890] =	vst v1  }
0x9a: {  	v63 =	vld [tilespmem:$0x7B0];
	[tilespmem:$0x8A0] =	vst v2  }
0x9b: {  	v8 =	vld [tilespmem:$0x600];
	[tilespmem:$0x8B0] =	vst v3  }
0x9c: {  	v9 =	vld [tilespmem:$0x610];
	[tilespmem:$0x8C0] =	vst v4  }
0x9d: {  	v10 =	vld [tilespmem:$0x620];
	[tilespmem:$0x8D0] =	vst v61  }
0x9e: {  	v11 =	vld [tilespmem:$0x630];
	[tilespmem:$0x8E0] =	vst v62  }
0x9f: {  	v12 =	vld [tilespmem:$0x7C0];
	[tilespmem:$0x8F0] =	vst v63  }
0xa0: {  	v13 =	vld [tilespmem:$0x7D0];
	[tilespmem:$0x900] =	vst v8  }
0xa1: {  	v14 =	vld [tilespmem:$0x7E0];
	[tilespmem:$0x910] =	vst v9  }
0xa2: {  	v15 =	vld [tilespmem:$0x7F0];
	[tilespmem:$0x920] =	vst v10  }
0xa3: {  	v16 =	vld [tilespmem:$0x600];
	[tilespmem:$0x930] =	vst v11  }
0xa4: {  	v17 =	vld [tilespmem:$0x610];
	[tilespmem:$0x940] =	vst v12  }
0xa5: {  	v18 =	vld [tilespmem:$0x620];
	[tilespmem:$0x950] =	vst v13  }
0xa6: {  	v19 =	vld [tilespmem:$0x630];
	[tilespmem:$0x960] =	vst v14  }
0xa7: {  	v20 =	vld [tilespmem:$0x800];
	[tilespmem:$0x970] =	vst v15  }
0xa8: {  	v21 =	vld [tilespmem:$0x810];
	[tilespmem:$0x980] =	vst v16  }
0xa9: {  	v22 =	vld [tilespmem:$0x820];
	[tilespmem:$0x990] =	vst v17  }
0xaa: {  	v23 =	vld [tilespmem:$0x830];
	[tilespmem:$0x9A0] =	vst v18  }
0xab: {  	v24 =	vld [tilespmem:$0x640];
	[tilespmem:$0x9B0] =	vst v19  }
0xac: {  	v25 =	vld [tilespmem:$0x650];
	[tilespmem:$0x9C0] =	vst v20  }
0xad: {  	v26 =	vld [tilespmem:$0x660];
	[tilespmem:$0x9D0] =	vst v21  }
0xae: {  	v27 =	vld [tilespmem:$0x670];
	[tilespmem:$0x9E0] =	vst v22  }
0xaf: {  	v28 =	vld [tilespmem:$0x780];
	[tilespmem:$0x9F0] =	vst v23  }
0xb0: {  	v29 =	vld [tilespmem:$0x790];
	[tilespmem:$0xA00] =	vst v24  }
0xb1: {  	v30 =	vld [tilespmem:$0x7A0];
	[tilespmem:$0xA10] =	vst v25  }
0xb2: {  	v31 =	vld [tilespmem:$0x7B0];
	[tilespmem:$0xA20] =	vst v26  }
0xb3: {  	v32 =	vld [tilespmem:$0x640];
	[tilespmem:$0xA30] =	vst v27  }
0xb4: {  	v33 =	vld [tilespmem:$0x650];
	[tilespmem:$0xA40] =	vst v28  }
0xb5: {  	v34 =	vld [tilespmem:$0x660];
	[tilespmem:$0xA50] =	vst v29  }
0xb6: {  	v35 =	vld [tilespmem:$0x670];
	[tilespmem:$0xA60] =	vst v30  }
0xb7: {  	v36 =	vld [tilespmem:$0x7C0];
	[tilespmem:$0xA70] =	vst v31  }
0xb8: {  	v37 =	vld [tilespmem:$0x7D0];
	[tilespmem:$0xA80] =	vst v32  }
0xb9: {  	v38 =	vld [tilespmem:$0x7E0];
	[tilespmem:$0xA90] =	vst v33  }
0xba: {  	v39 =	vld [tilespmem:$0x7F0];
	[tilespmem:$0xAA0] =	vst v34  }
0xbb: {  	v40 =	vld [tilespmem:$0x640];
	[tilespmem:$0xAB0] =	vst v35  }
0xbc: {  	v41 =	vld [tilespmem:$0x650];
	[tilespmem:$0xAC0] =	vst v36  }
0xbd: {  	v42 =	vld [tilespmem:$0x660];
	[tilespmem:$0xAD0] =	vst v37  }
0xbe: {  	v43 =	vld [tilespmem:$0x670];
	[tilespmem:$0xAE0] =	vst v38  }
0xbf: {  	v44 =	vld [tilespmem:$0x800];
	[tilespmem:$0xAF0] =	vst v39  }
0xc0: {  	v45 =	vld [tilespmem:$0x810];
	[tilespmem:$0xB00] =	vst v40  }
0xc1: {  	v46 =	vld [tilespmem:$0x820];
	[tilespmem:$0xB10] =	vst v41  }
0xc2: {  	v47 =	vld [tilespmem:$0x830];
	[tilespmem:$0xB20] =	vst v42  }
0xc3: {  	v48 =	vld [tilespmem:$0x680];
	[tilespmem:$0xB30] =	vst v43  }
0xc4: {  	v49 =	vld [tilespmem:$0x690];
	[tilespmem:$0xB40] =	vst v44  }
0xc5: {  	v50 =	vld [tilespmem:$0x6A0];
	[tilespmem:$0xB50] =	vst v45  }
0xc6: {  	v51 =	vld [tilespmem:$0x6B0];
	[tilespmem:$0xB60] =	vst v46  }
0xc7: {  	v52 =	vld [tilespmem:$0x780];
	[tilespmem:$0xB70] =	vst v47  }
0xc8: {  	v53 =	vld [tilespmem:$0x790];
	[tilespmem:$0xB80] =	vst v48  }
0xc9: {  	v54 =	vld [tilespmem:$0x7A0];
	[tilespmem:$0xB90] =	vst v49  }
0xca: {  	v55 =	vld [tilespmem:$0x7B0];
	[tilespmem:$0xBA0] =	vst v50  }
0xcb: {  	v56 =	vld [tilespmem:$0x680];
	[tilespmem:$0xBB0] =	vst v51  }
0xcc: {  	v57 =	vld [tilespmem:$0x690];
	[tilespmem:$0xBC0] =	vst v52  }
0xcd: {  	v58 =	vld [tilespmem:$0x6A0];
	[tilespmem:$0xBD0] =	vst v53  }
0xce: {  	v59 =	vld [tilespmem:$0x6B0];
	[tilespmem:$0xBE0] =	vst v54  }
0xcf: {  	v60 =	vld [tilespmem:$0x7C0];
	[tilespmem:$0xBF0] =	vst v55  }
0xd0: {  	[tilespmem:$0xC00] =	vst v56;
	v61 =	vld [tilespmem:$0x7D0]  }
0xd1: {  	[tilespmem:$0xC10] =	vst v57;
	v62 =	vld [tilespmem:$0x7E0]  }
0xd2: {  	[tilespmem:$0xC20] =	vst v58;
	v63 =	vld [tilespmem:$0x7F0]  }
0xd3: {  	[tilespmem:$0xC30] =	vst v59;
	v8 =	vld [tilespmem:$0x680]  }
0xd4: {  	[tilespmem:$0xC40] =	vst v60;
	v9 =	vld [tilespmem:$0x690]  }
0xd5: {  	v10 =	vld [tilespmem:$0x6A0];
	[tilespmem:$0xC50] =	vst v61  }
0xd6: {  	v11 =	vld [tilespmem:$0x6B0];
	[tilespmem:$0xC60] =	vst v62  }
0xd7: {  	v12 =	vld [tilespmem:$0x800];
	[tilespmem:$0xC70] =	vst v63  }
0xd8: {  	v13 =	vld [tilespmem:$0x810];
	[tilespmem:$0xC80] =	vst v8  }
0xd9: {  	v14 =	vld [tilespmem:$0x820];
	[tilespmem:$0xC90] =	vst v9  }
0xda: {  	v15 =	vld [tilespmem:$0x830];
	[tilespmem:$0xCA0] =	vst v10  }
0xdb: {  	v16 =	vld [tilespmem:$0x6C0];
	[tilespmem:$0xCB0] =	vst v11  }
0xdc: {  	v17 =	vld [tilespmem:$0x6D0];
	[tilespmem:$0xCC0] =	vst v12  }
0xdd: {  	v18 =	vld [tilespmem:$0x6E0];
	[tilespmem:$0xCD0] =	vst v13  }
0xde: {  	v19 =	vld [tilespmem:$0x6F0];
	[tilespmem:$0xCE0] =	vst v14  }
0xdf: {  	v20 =	vld [tilespmem:$0x780];
	[tilespmem:$0xCF0] =	vst v15  }
0xe0: {  	v21 =	vld [tilespmem:$0x790];
	[tilespmem:$0xD00] =	vst v16  }
0xe1: {  	v22 =	vld [tilespmem:$0x7A0];
	[tilespmem:$0xD10] =	vst v17  }
0xe2: {  	v23 =	vld [tilespmem:$0x7B0];
	[tilespmem:$0xD20] =	vst v18  }
0xe3: {  	v24 =	vld [tilespmem:$0x6C0];
	[tilespmem:$0xD30] =	vst v19  }
0xe4: {  	v25 =	vld [tilespmem:$0x6D0];
	[tilespmem:$0xD40] =	vst v20  }
0xe5: {  	v26 =	vld [tilespmem:$0x6E0];
	[tilespmem:$0xD50] =	vst v21  }
0xe6: {  	v27 =	vld [tilespmem:$0x6F0];
	[tilespmem:$0xD60] =	vst v22  }
0xe7: {  	v28 =	vld [tilespmem:$0x7C0];
	[tilespmem:$0xD70] =	vst v23  }
0xe8: {  	v29 =	vld [tilespmem:$0x7D0];
	[tilespmem:$0xD80] =	vst v24  }
0xe9: {  	v30 =	vld [tilespmem:$0x7E0];
	[tilespmem:$0xD90] =	vst v25  }
0xea: {  	v31 =	vld [tilespmem:$0x7F0];
	[tilespmem:$0xDA0] =	vst v26  }
0xeb: {  	v32 =	vld [tilespmem:$0x6C0];
	[tilespmem:$0xDB0] =	vst v27  }
0xec: {  	v33 =	vld [tilespmem:$0x6D0];
	[tilespmem:$0xDC0] =	vst v28  }
0xed: {  	v34 =	vld [tilespmem:$0x6E0];
	[tilespmem:$0xDD0] =	vst v29  }
0xee: {  	v35 =	vld [tilespmem:$0x6F0];
	[tilespmem:$0xDE0] =	vst v30  }
0xef: {  	v36 =	vld [tilespmem:$0x800];
	[tilespmem:$0xDF0] =	vst v31  }
0xf0: {  	v37 =	vld [tilespmem:$0x810];
	[tilespmem:$0xE00] =	vst v32  }
0xf1: {  	v38 =	vld [tilespmem:$0x820];
	[tilespmem:$0xE10] =	vst v33  }
0xf2: {  	v39 =	vld [tilespmem:$0x830];
	[tilespmem:$0xE20] =	vst v34  }
0xf3: {  	v40 =	vld [tilespmem:$0x700];
	[tilespmem:$0xE30] =	vst v35  }
0xf4: {  	v41 =	vld [tilespmem:$0x710];
	[tilespmem:$0xE40] =	vst v36  }
0xf5: {  	v42 =	vld [tilespmem:$0x720];
	[tilespmem:$0xE50] =	vst v37  }
0xf6: {  	v43 =	vld [tilespmem:$0x730];
	[tilespmem:$0xE60] =	vst v38  }
0xf7: {  	v44 =	vld [tilespmem:$0x780];
	[tilespmem:$0xE70] =	vst v39  }
0xf8: {  	v45 =	vld [tilespmem:$0x790];
	[tilespmem:$0xE80] =	vst v40  }
0xf9: {  	v46 =	vld [tilespmem:$0x7A0];
	[tilespmem:$0xE90] =	vst v41  }
0xfa: {  	v47 =	vld [tilespmem:$0x7B0];
	[tilespmem:$0xEA0] =	vst v42  }
0xfb: {  	v48 =	vld [tilespmem:$0x700];
	[tilespmem:$0xEB0] =	vst v43  }
0xfc: {  	v49 =	vld [tilespmem:$0x710];
	[tilespmem:$0xEC0] =	vst v44  }
0xfd: {  	v50 =	vld [tilespmem:$0x720];
	[tilespmem:$0xED0] =	vst v45  }
0xfe: {  	v51 =	vld [tilespmem:$0x730];
	[tilespmem:$0xEE0] =	vst v46  }
0xff: {  	v52 =	vld [tilespmem:$0x7C0];
	[tilespmem:$0xEF0] =	vst v47  }
0x100: {  	v53 =	vld [tilespmem:$0x7D0];
	[tilespmem:$0xF00] =	vst v48  }
0x101: {  	v54 =	vld [tilespmem:$0x7E0];
	[tilespmem:$0xF10] =	vst v49  }
0x102: {  	v55 =	vld [tilespmem:$0x7F0];
	[tilespmem:$0xF20] =	vst v50  }
0x103: {  	v56 =	vld [tilespmem:$0x700];
	[tilespmem:$0xF30] =	vst v51  }
0x104: {  	v57 =	vld [tilespmem:$0x710];
	[tilespmem:$0xF40] =	vst v52  }
0x105: {  	v58 =	vld [tilespmem:$0x720];
	[tilespmem:$0xF50] =	vst v53  }
0x106: {  	v59 =	vld [tilespmem:$0x730];
	[tilespmem:$0xF60] =	vst v54  }
0x107: {  	v60 =	vld [tilespmem:$0x800];
	[tilespmem:$0xF70] =	vst v55  }
0x108: {  	[tilespmem:$0xF80] =	vst v56;
	v61 =	vld [tilespmem:$0x810]  }
0x109: {  	[tilespmem:$0xF90] =	vst v57;
	v62 =	vld [tilespmem:$0x820]  }
0x10a: {  	[tilespmem:$0xFA0] =	vst v58;
	v63 =	vld [tilespmem:$0x830]  }
0x10b: {  	[tilespmem:$0xFB0] =	vst v59  }
0x10c: {  	[tilespmem:$0xFC0] =	vst v60  }
0x10d: {  	[tilespmem:$0xFD0] =	vst v61  }
0x10e: {  	[tilespmem:$0xFE0] =	vst v62  }
.Ltmp3:
0x10f: {  	[tilespmem:$0xFF0] =	vst v63;
	(pc) =	sbr.rel .LBB2_3-.Ltmp3, $4  }
0x110: {  	[spmem:s1] =	stream.linear.scatter [tilespmem:s16], [sflag:$0x4], $0x780, $0x38;
	[tilespmem:$0x110F8] =	vst v63  }
0x111: {  	_ =	swait.ge [sflag:s17], $0x780  }
0x112: {  	[sflag:s17] =	ssyncset.done $0x0  }
0x113: {  	[sflag:s17] =	ssyncadd.s32 $0xFFFFF880  }
.LBB2_4:
0x114: {  	_ =	sfence.sel $0x180000  }
0x115: {  	[bflag:$0x0] =	sbarrier.arrive $0xFFFF  }
0x116: {  	_ =	strace $0x90000047  }
0x117: {  	s0 =	sadd.s32 @!p0 $0x100000, s0;
	[bflag:$0x2] =	sbarrier.arrive $0xFFFF  }
0x118: {  	[sflag:s0] =	ssyncadd.tile.s32 @!p0 $0x1;
	_ =	shalt  }
.Lfunc_end2:
_tile_overlayer_lowered:
.L_overlay_start_2:
0x119: {  	(tag) =	ssettag $0x2  }
0x11a: {  	s0 =	rddreg [dreg:$0x0];
	s2 =	stileid.u32  }
0x11b: {  	s1 =	rddreg [dreg:$0x1];
	p0 =	sne.s32 s2, $0x0  }
0x11c: {  	s3 =	rddreg [dreg:$0x2];
	[bflag:$0x3] =	sbarrier.arrive $0xFFFF;
	s2 =	simm.s32 @!p0 $0x1C04  }
0x11d: {  	[timem:s3], [sflag:s2] =	dma.local @!p0 [hbm:s0], s1  }
0x11e: {  	s0 =	simm.s32 @!p0 $0x4  }
0x11f: {  	_ =	swait.ge @!p0 [sflag:s0], s1  }
0x120: {  	s1 =	ssub.s32 @!p0 $0x0, s1;
	[sflag:s0] =	ssyncset.done @!p0 $0x0  }
0x121: {  	[sflag:s0] =	ssyncadd.s32 @!p0 s1  }
0x122: {  	[bflag:$0x3] =	sbarrier.arrive $0xFFFF  }
0x123: {  	_ =	shalt  }

</sc_bundles>
